<compile_context>
chip_gen: v7x
topology: tpu7x:2x2x1
jax: 0.10.2.dev20260603
libtpu: 0.0.44.dev20260713+nightly
codegen_flags: <defaults>
</compile_context>

<pallas_src>
import functools
import jax
import jax.numpy as jnp
from jax import lax
from jax.experimental import pallas as pl
from jax.experimental.pallas import tpu as pltpu
from jax.experimental.pallas import tpu_sc as plsc

_BETA = 0.25
_D = 32
_N = 8192
_B = 1024
_CHUNK = 8192
_NSTEP = _N // _CHUNK
_SUB = 256
_NSUB = _CHUNK // _SUB


_K = _D + 1


def _split3(v):
    v1 = v.astype(jnp.bfloat16)
    r = v - v1.astype(jnp.float32)
    v2 = r.astype(jnp.bfloat16)
    r2 = r - v2.astype(jnp.float32)
    v3 = r2.astype(jnp.bfloat16)
    return v1, v2, v3


def _argmin_body(x_ref, cb_ref, idx_ref, loss_ref, cbn_ref,
                 zf_ref, zk_ref, best_d_ref, best_i_ref):
    j = pl.program_id(0)

    @pl.when(j == 0)
    def _init():
        z = x_ref[...]
        zn = jnp.sqrt(jnp.sum(z * z, axis=1, keepdims=True))
        z = z / jnp.maximum(zn, 1e-12)
        zf_ref[...] = z
        zaug = jnp.concatenate([z, jnp.ones((_B, 1), jnp.float32)], axis=1)
        z1, z2, z3 = _split3(zaug)
        zk_ref[...] = jnp.concatenate([z1, z1, z1, z2, z2, z3], axis=1)
        best_d_ref[...] = jnp.full((1, _B), jnp.inf, jnp.float32)
        best_i_ref[...] = jnp.zeros((1, _B), jnp.int32)

    cbj = cb_ref[...]
    s2 = jnp.sum(cbj * cbj, axis=1, keepdims=True)
    cn = jnp.maximum(jnp.sqrt(s2), 1e-12)
    cbn = cbj / cn
    cbn_ref[:, :_D] = cbn
    cn2 = s2 / (cn * cn)
    aug = jnp.concatenate([-2.0 * cbn, cn2], axis=1)
    a1, a2, a3 = _split3(aug)
    augk = jnp.concatenate([a1, a2, a3, a1, a2, a1], axis=1)
    zk = zk_ref[...]
    iota = jax.lax.broadcasted_iota(jnp.int32, (_SUB, _B), 0)
    big = jnp.int32(2 ** 30)

    def _dot(s):
        return jax.lax.dot_general(
            augk[s * _SUB:(s + 1) * _SUB, :], zk, (((1,), (1,)), ((), ())),
            preferred_element_type=jnp.float32)

    def _reduce(d, s):
        m = jnp.min(d, axis=0, keepdims=True)
        a = (jnp.min(jnp.where(d == m, iota, big), axis=0)[None, :]
             + j * _CHUNK + s * _SUB)
        upd = m < best_d_ref[...]
        best_i_ref[...] = jnp.where(upd, a, best_i_ref[...])
        best_d_ref[...] = jnp.where(upd, m, best_d_ref[...])

    d_prev = _dot(0)
    for s in range(1, _NSUB):
        d_cur = _dot(s)
        _reduce(d_prev, s - 1)
        d_prev = d_cur
    _reduce(d_prev, _NSUB - 1)

    @pl.when(j == _NSTEP - 1)
    def _fin():
        idx_ref[...] = best_i_ref[...]
        z = zf_ref[...]
        tot = jnp.sum(best_d_ref[...]) + jnp.sum(z * z)
        mean = tot / (_B * _D)
        loss_ref[...] = jnp.reshape(_BETA * mean + mean, (1, 1))


def _tc_argmin(xf, codebook_weight):
    return pl.pallas_call(
        _argmin_body,
        grid=(_NSTEP,),
        in_specs=[
            pl.BlockSpec((_B, _D), lambda j: (0, 0)),
            pl.BlockSpec((_CHUNK, _D), lambda j: (j, 0)),
        ],
        out_specs=[
            pl.BlockSpec((1, _B), lambda j: (0, 0)),
            pl.BlockSpec((1, 1), lambda j: (0, 0)),
            pl.BlockSpec((_CHUNK, 128), lambda j: (j, 0)),
        ],
        out_shape=[
            jax.ShapeDtypeStruct((1, _B), jnp.int32),
            jax.ShapeDtypeStruct((1, 1), jnp.float32),
            jax.ShapeDtypeStruct((_N, 128), jnp.float32),
        ],
        scratch_shapes=[
            pltpu.VMEM((_B, _D), jnp.float32),
            pltpu.VMEM((_B, 6 * _K), jnp.bfloat16),
            pltpu.VMEM((1, _B), jnp.float32),
            pltpu.VMEM((1, _B), jnp.int32),
        ],
    )(xf, codebook_weight)


def _sc_gather(table, idx):
    info = plsc.get_sparse_core_info()
    nc, ns = info.num_cores, info.num_subcores
    nw = nc * ns
    bpw = _B // nw
    mesh = plsc.VectorSubcoreMesh(core_axis_name="c", subcore_axis_name="s")

    @functools.partial(
        pl.kernel, mesh=mesh,
        out_type=jax.ShapeDtypeStruct((_B, 128), jnp.float32),
        scratch_types=[
            pltpu.VMEM((bpw,), jnp.int32),
            pltpu.VMEM((bpw, 128), jnp.float32),
            pltpu.SemaphoreType.DMA,
        ],
    )
    def k(table_hbm, idx_hbm, out_hbm, idx_v, rows_v, sem):
        wid = lax.axis_index("s") * nc + lax.axis_index("c")
        base = wid * bpw
        pltpu.sync_copy(idx_hbm.at[pl.ds(base, bpw)], idx_v)
        pltpu.async_copy(table_hbm.at[idx_v], rows_v, sem).wait()
        pltpu.sync_copy(rows_v, out_hbm.at[pl.ds(base, bpw)])

    return k(table, idx)


def kernel(x, codebook_weight):
    xf = x.reshape(-1, _D)
    idx, loss, cbn = _tc_argmin(xf, codebook_weight)
    zq = _sc_gather(cbn, idx.reshape(_B))[:, :_D]
    return (zq.reshape(x.shape), loss.reshape(()),
            idx.reshape(x.shape[:-1]))

# --- scband reference (transcript-rebuilt; emitter-appended) ---
"""Pipeline reference for scband-vector-quantizer-58119497449850 (READ-ONLY COPY).

The authoritative reference and input builder live on the scoring server;
editing this copy changes nothing except your own understanding.
"""

import jax, jax.numpy as jnp
import numpy as np

BETA = 0.25
CODEBOOK_DIM = 32
CODEBOOK_SIZE = 8192

def _normalize(t):
    n = jnp.linalg.norm(t, axis=-1, keepdims=True)
    return t / jnp.clip(n, 1e-12)

def setup_inputs(seed: int = 0) -> dict:
    key = jax.random.key(seed)
    k1, k2 = jax.random.split(key)
    x = jax.random.normal(k1, (4, 256, CODEBOOK_DIM), dtype=jnp.float32)
    codebook_weight = jax.random.normal(k2, (CODEBOOK_SIZE, CODEBOOK_DIM), dtype=jnp.float32)
    return {"x": x, "codebook_weight": codebook_weight}

def reference(x, codebook_weight):
    # quantize()
    z_flat = _normalize(x.reshape(-1, CODEBOOK_DIM))
    cb = _normalize(codebook_weight)
    # PairwiseBatchedDistance: materialized broadcast diff [B, N, D]
    diff = z_flat[:, None, :] - cb[None, :, :]
    distances = jnp.sum(diff ** 2, axis=-1)
    code_indices = jnp.argmin(distances, axis=1)
    code_indices = code_indices.reshape(x.shape[:-1])
    # embedding lookup uses the UNnormalized weight (nn.Embedding)
    z_q = jnp.take(codebook_weight, code_indices, axis=0).reshape(x.shape)
    z_qnorm = _normalize(z_q)
    z_norm = _normalize(x)
    loss = BETA * jnp.mean((jax.lax.stop_gradient(z_qnorm) - z_norm) ** 2) + jnp.mean((z_qnorm - jax.lax.stop_gradient(z_norm)) ** 2)
    # BaseQuantizer.forward straight-through on quantized.codebook_vectors (= z_qnorm)
    z_q_out = x + jax.lax.stop_gradient(z_qnorm - x)
    return z_q_out, loss, code_indices

if __name__ == "__main__":
    import jax
    _d = setup_inputs()
    print(jax.jit(kernel)(*tuple(_d.values())))

</pallas_src>

<mosaic_0001>
#map = affine_map<(d0, d1) -> (0, 0)>
#map1 = affine_map<(d0, d1) -> (0)>
module attributes {stable_mosaic.version = 14 : i64} {
  func.func @k(%arg0: i32, %arg1: i32, %arg2: memref<8192x128xf32, #tpu.memory_space<hbm>>, %arg3: memref<1024xi32, #tpu.memory_space<hbm>>, %arg4: memref<1024x128xf32, #tpu.memory_space<hbm>>, %arg5: memref<32xi32, #tpu.memory_space<vmem>>, %arg6: memref<32x128xf32, #tpu.memory_space<vmem>>, %arg7: memref<!tpu.dma_semaphore, #tpu.memory_space<semaphore_mem>>) attributes {dimension_semantics = [#tpu.dimension_semantics<core_parallel>, #tpu.dimension_semantics<subcore_parallel>], iteration_bounds = array<i64: 2, 16>, scalar_prefetch = 0 : i64, scratch_operands = 3 : i64, tpu.core_type = #tpu.core_type<sc_vector_subcore>, window_params = [{transform_indices = #map}, {transform_indices = #map1}, {transform_indices = #map}]} {
    %mul3A = arith.constant 2 : i32
    %mul3A_0 = arith.muli %arg1, %mul3A : i32
    %add3A = arith.addi %mul3A_0, %arg0 : i32
    %mul3A_1 = arith.constant 32 : i32
    %mul3A_2 = arith.muli %add3A, %mul3A_1 : i32
    "tpu.region"() ({
      %run_scoped3A = tpu.sem_alloc : memref<!tpu.dma_semaphore, #tpu.memory_space<semaphore_mem>>
      %dma_start3A_7 = tpu.memref_slice %arg3[%mul3A_2] : memref<1024xi32, #tpu.memory_space<hbm>> -> memref<32xi32, #tpu.memory_space<hbm>>
      %dma_start3A_8 = tpu.memref_slice %arg3[%mul3A_2] : memref<1024xi32, #tpu.memory_space<hbm>> -> memref<32xi32, #tpu.memory_space<hbm>>
      tpu.enqueue_dma source(%dma_start3A_8 : memref<32xi32, #tpu.memory_space<hbm>>) target(%arg5 : memref<32xi32, #tpu.memory_space<vmem>>) target_semaphore(%run_scoped3A : memref<!tpu.dma_semaphore, #tpu.memory_space<semaphore_mem>>)
      %dma_wait3A_9 = tpu.memref_slice %arg3[%mul3A_2] : memref<1024xi32, #tpu.memory_space<hbm>> -> memref<32xi32, #tpu.memory_space<hbm>>
      %dma_wait3A_10 = tpu.memref_slice %arg3[%mul3A_2] : memref<1024xi32, #tpu.memory_space<hbm>> -> memref<32xi32, #tpu.memory_space<hbm>>
      tpu.wait_dma2 semaphore(%run_scoped3A : memref<!tpu.dma_semaphore, #tpu.memory_space<semaphore_mem>>) src(%dma_wait3A_10 : memref<32xi32, #tpu.memory_space<hbm>>) dst(%arg5 : memref<32xi32, #tpu.memory_space<vmem>>)
      tpu.yield
    }) : () -> ()
    %dma_start3A = arith.constant 0 : i32
    %dma_start3A_3 = arith.constant 0 : i32
    %dma_start3A_4 = tpu.memref_slice %arg2[%dma_start3A, %dma_start3A_3] : memref<8192x128xf32, #tpu.memory_space<hbm>> -> memref<8192x128xf32, #tpu.memory_space<hbm>>
    tpu.enqueue_indirect_dma source(%dma_start3A_4 : memref<8192x128xf32, #tpu.memory_space<hbm>>) target(%arg6 : memref<32x128xf32, #tpu.memory_space<vmem>>) offsets(%arg5 : memref<32xi32, #tpu.memory_space<vmem>>) semaphore(%arg7 : memref<!tpu.dma_semaphore, #tpu.memory_space<semaphore_mem>>)
    %dma_wait3A = arith.constant 0 : i32
    %dma_wait3A_5 = arith.constant 0 : i32
    %dma_wait3A_6 = tpu.memref_slice %arg2[%dma_wait3A, %dma_wait3A_5] : memref<8192x128xf32, #tpu.memory_space<hbm>> -> memref<8192x128xf32, #tpu.memory_space<hbm>>
    tpu.wait_indirect_dma semaphore(%arg7 : memref<!tpu.dma_semaphore, #tpu.memory_space<semaphore_mem>>) src(%dma_wait3A_6 : memref<8192x128xf32, #tpu.memory_space<hbm>>) dst(%arg6 : memref<32x128xf32, #tpu.memory_space<vmem>>)
    "tpu.region"() ({
      %run_scoped3A = tpu.sem_alloc : memref<!tpu.dma_semaphore, #tpu.memory_space<semaphore_mem>>
      %dma_start3A_7 = arith.constant 0 : i32
      %dma_start3A_8 = tpu.memref_slice %arg4[%mul3A_2, %dma_start3A_7] : memref<1024x128xf32, #tpu.memory_space<hbm>> -> memref<32x128xf32, #tpu.memory_space<hbm>>
      %dma_start3A_9 = arith.constant 0 : i32
      %dma_start3A_10 = tpu.memref_slice %arg4[%mul3A_2, %dma_start3A_9] : memref<1024x128xf32, #tpu.memory_space<hbm>> -> memref<32x128xf32, #tpu.memory_space<hbm>>
      tpu.enqueue_dma source(%arg6 : memref<32x128xf32, #tpu.memory_space<vmem>>) target(%dma_start3A_10 : memref<32x128xf32, #tpu.memory_space<hbm>>) target_semaphore(%run_scoped3A : memref<!tpu.dma_semaphore, #tpu.memory_space<semaphore_mem>>)
      %dma_wait3A_11 = arith.constant 0 : i32
      %dma_wait3A_12 = tpu.memref_slice %arg4[%mul3A_2, %dma_wait3A_11] : memref<1024x128xf32, #tpu.memory_space<hbm>> -> memref<32x128xf32, #tpu.memory_space<hbm>>
      %dma_wait3A_13 = arith.constant 0 : i32
      %dma_wait3A_14 = tpu.memref_slice %arg4[%mul3A_2, %dma_wait3A_13] : memref<1024x128xf32, #tpu.memory_space<hbm>> -> memref<32x128xf32, #tpu.memory_space<hbm>>
      tpu.wait_dma2 semaphore(%run_scoped3A : memref<!tpu.dma_semaphore, #tpu.memory_space<semaphore_mem>>) src(%arg6 : memref<32x128xf32, #tpu.memory_space<vmem>>) dst(%dma_wait3A_14 : memref<32x128xf32, #tpu.memory_space<hbm>>)
      tpu.yield
    }) : () -> ()
    return
  }
}

module attributes {stable_mosaic.version = 14 : i64} {
  func.func @_argmin_body(%arg0: i32, %arg1: memref<1024x32xf32, #tpu.memory_space<vmem>>, %arg2: memref<8192x32xf32, #tpu.memory_space<vmem>>, %arg3: memref<1x1024xi32, #tpu.memory_space<vmem>>, %arg4: memref<1x1xf32, #tpu.memory_space<vmem>>, %arg5: memref<8192x128xf32, #tpu.memory_space<vmem>>, %arg6: memref<1024x32xf32, #tpu.memory_space<vmem>>, %arg7: memref<1024x198xbf16, #tpu.memory_space<vmem>>, %arg8: memref<1x1024xf32, #tpu.memory_space<vmem>>, %arg9: memref<1x1024xi32, #tpu.memory_space<vmem>>) attributes {dimension_semantics = [#tpu.dimension_semantics<arbitrary>], iteration_bounds = array<i64: 1>, scalar_prefetch = 0 : i64, scratch_operands = 4 : i64, tpu.core_type = #tpu.core_type<tc>, window_params = [{pipeline_mode = #tpu.pipeline_mode<synchronous>, transform_indices = @transform_0, window_bounds = array<i64: 1024, 32>}, {transform_indices = @transform_1, window_bounds = array<i64: 8192, 32>}, {pipeline_mode = #tpu.pipeline_mode<synchronous>, transform_indices = @transform_2, window_bounds = array<i64: 1, 1024>}, {pipeline_mode = #tpu.pipeline_mode<synchronous>, transform_indices = @transform_3, window_bounds = array<i64: 1, 1>}, {transform_indices = @transform_4, window_bounds = array<i64: 8192, 128>}]} {
    %eq3A = arith.constant 0 : i32
    %eq3A_0 = arith.cmpi eq, %arg0, %eq3A : i32
    %convert_element_type3A = arith.extui %eq3A_0 : i1 to i32
    %cond3A = arith.constant 0 : i32
    %cond3A_1 = arith.cmpi ne, %convert_element_type3A, %cond3A : i32
    scf.if %cond3A_1 {
      %get3A_1271 = arith.constant 0 : index
      %get3A_1272 = arith.constant 0 : index
      %get3A_1273 = vector.load %arg1[%get3A_1271, %get3A_1272] : memref<1024x32xf32, #tpu.memory_space<vmem>>, vector<1024x32xf32>
      %mul3A_1274 = arith.mulf %get3A_1273, %get3A_1273 : vector<1024x32xf32>
      %reduce_sum3A_1275 = arith.constant dense<0.000000e+00> : vector<1024xf32>
      %reduce_sum3A_1276 = vector.multi_reduction <add>, %mul3A_1274, %reduce_sum3A_1275 [1] : vector<1024x32xf32> to vector<1024xf32>
      %broadcast_in_dim3A_1277 = vector.shape_cast %reduce_sum3A_1276 : vector<1024xf32> to vector<1024x1xf32>
      %sqrt3A_1278 = math.sqrt %broadcast_in_dim3A_1277 : vector<1024x1xf32>
      %max3A_1279 = arith.constant 9.99999996E-13 : f32
      %max3A_1280 = vector.broadcast %max3A_1279 : f32 to vector<1024x1xf32>
      %max3A_1281 = arith.maximumf %sqrt3A_1278, %max3A_1280 : vector<1024x1xf32>
      %div3A_1282 = vector.broadcast %max3A_1281 : vector<1024x1xf32> to vector<1024x32xf32>
      %div3A_1283 = arith.divf %get3A_1273, %div3A_1282 : vector<1024x32xf32>
      %swap3A_1284 = arith.constant 0 : index
      %swap3A_1285 = arith.constant 0 : index
      %swap3A_1286 = vector.load %arg6[%swap3A_1284, %swap3A_1285] : memref<1024x32xf32, #tpu.memory_space<vmem>>, vector<1024x32xf32>
      tpu.vector_store %arg6[%swap3A_1284, %swap3A_1285], %div3A_1283 {strides = array<i32>} : memref<1024x32xf32, #tpu.memory_space<vmem>>, vector<1024x32xf32>,
      %broadcast_in_dim3A_1287 = arith.constant 1.000000e+00 : f32
      %broadcast_in_dim3A_1288 = vector.broadcast %broadcast_in_dim3A_1287 : f32 to vector<1024x1xf32>
      %concatenate3A_1289 = tpu.concatenate %div3A_1283, %broadcast_in_dim3A_1288 in 1 : vector<1024x32xf32>, vector<1024x1xf32> -> vector<1024x33xf32>
      %convert_element_type3A_1290 = arith.truncf %concatenate3A_1289 : vector<1024x33xf32> to vector<1024x33xbf16>
      %convert_element_type3A_1291 = arith.extf %convert_element_type3A_1290 : vector<1024x33xbf16> to vector<1024x33xf32>
      %sub3A_1292 = arith.subf %concatenate3A_1289, %convert_element_type3A_1291 : vector<1024x33xf32>
      %convert_element_type3A_1293 = arith.truncf %sub3A_1292 : vector<1024x33xf32> to vector<1024x33xbf16>
      %convert_element_type3A_1294 = arith.extf %convert_element_type3A_1293 : vector<1024x33xbf16> to vector<1024x33xf32>
      %sub3A_1295 = arith.subf %sub3A_1292, %convert_element_type3A_1294 : vector<1024x33xf32>
      %convert_element_type3A_1296 = arith.truncf %sub3A_1295 : vector<1024x33xf32> to vector<1024x33xbf16>
      %concatenate3A_1297 = tpu.concatenate %convert_element_type3A_1290, %convert_element_type3A_1290, %convert_element_type3A_1290, %convert_element_type3A_1293, %convert_element_type3A_1293, %convert_element_type3A_1296 in 1 : vector<1024x33xbf16>, vector<1024x33xbf16>, vector<1024x33xbf16>, vector<1024x33xbf16>, vector<1024x33xbf16>, vector<1024x33xbf16> -> vector<1024x198xbf16>
      %swap3A_1298 = arith.constant 0 : index
      %swap3A_1299 = arith.constant 0 : index
      %swap3A_1300 = vector.load %arg7[%swap3A_1298, %swap3A_1299] : memref<1024x198xbf16, #tpu.memory_space<vmem>>, vector<1024x198xbf16>
      tpu.vector_store %arg7[%swap3A_1298, %swap3A_1299], %concatenate3A_1297 {strides = array<i32>} : memref<1024x198xbf16, #tpu.memory_space<vmem>>, vector<1024x198xbf16>,
      %broadcast_in_dim3A_1301 = arith.constant 0x7F800000 : f32
      %broadcast_in_dim3A_1302 = vector.broadcast %broadcast_in_dim3A_1301 : f32 to vector<1x1024xf32>
      %swap3A_1303 = arith.constant 0 : index
      %swap3A_1304 = arith.constant 0 : index
      %swap3A_1305 = vector.load %arg8[%swap3A_1303, %swap3A_1304] : memref<1x1024xf32, #tpu.memory_space<vmem>>, vector<1x1024xf32>
      tpu.vector_store %arg8[%swap3A_1303, %swap3A_1304], %broadcast_in_dim3A_1302 {strides = array<i32>} : memref<1x1024xf32, #tpu.memory_space<vmem>>, vector<1x1024xf32>,
      %broadcast_in_dim3A_1306 = arith.constant 0 : i32
      %broadcast_in_dim3A_1307 = vector.broadcast %broadcast_in_dim3A_1306 : i32 to vector<1x1024xi32>
      %swap3A_1308 = arith.constant 0 : index
      %swap3A_1309 = arith.constant 0 : index
      %swap3A_1310 = vector.load %arg9[%swap3A_1308, %swap3A_1309] : memref<1x1024xi32, #tpu.memory_space<vmem>>, vector<1x1024xi32>
      tpu.vector_store %arg9[%swap3A_1308, %swap3A_1309], %broadcast_in_dim3A_1307 {strides = array<i32>} : memref<1x1024xi32, #tpu.memory_space<vmem>>, vector<1x1024xi32>,
    } else {
    }
    %get3A = arith.constant 0 : index
    %get3A_2 = arith.constant 0 : index
    %get3A_3 = vector.load %arg2[%get3A, %get3A_2] : memref<8192x32xf32, #tpu.memory_space<vmem>>, vector<8192x32xf32>
    %mul3A = arith.mulf %get3A_3, %get3A_3 : vector<8192x32xf32>
    %reduce_sum3A = arith.constant dense<0.000000e+00> : vector<8192xf32>
    %reduce_sum3A_4 = vector.multi_reduction <add>, %mul3A, %reduce_sum3A [1] : vector<8192x32xf32> to vector<8192xf32>
    %broadcast_in_dim3A = vector.shape_cast %reduce_sum3A_4 : vector<8192xf32> to vector<8192x1xf32>
    %sqrt3A = math.sqrt %broadcast_in_dim3A : vector<8192x1xf32>
    %max3A = arith.constant 9.99999996E-13 : f32
    %max3A_5 = vector.broadcast %max3A : f32 to vector<8192x1xf32>
    %max3A_6 = arith.maximumf %sqrt3A, %max3A_5 : vector<8192x1xf32>
    %div3A = vector.broadcast %max3A_6 : vector<8192x1xf32> to vector<8192x32xf32>
    %div3A_7 = arith.divf %get3A_3, %div3A : vector<8192x32xf32>
    %swap3A = arith.constant 0 : index
    %swap3A_8 = arith.constant 0 : index
    %swap3A_9 = vector.load %arg5[%swap3A, %swap3A_8] : memref<8192x128xf32, #tpu.memory_space<vmem>>, vector<8192x32xf32>
    tpu.vector_store %arg5[%swap3A, %swap3A_8], %div3A_7 {strides = array<i32>} : memref<8192x128xf32, #tpu.memory_space<vmem>>, vector<8192x32xf32>,
    %mul3A_10 = arith.mulf %max3A_6, %max3A_6 : vector<8192x1xf32>
    %div3A_11 = arith.divf %broadcast_in_dim3A, %mul3A_10 : vector<8192x1xf32>
    %mul3A_12 = arith.constant -2.000000e+00 : f32
    %mul3A_13 = vector.broadcast %mul3A_12 : f32 to vector<8192x32xf32>
    %mul3A_14 = arith.mulf %mul3A_13, %div3A_7 : vector<8192x32xf32>
    %concatenate3A = tpu.concatenate %mul3A_14, %div3A_11 in 1 : vector<8192x32xf32>, vector<8192x1xf32> -> vector<8192x33xf32>
    %convert_element_type3A_15 = arith.truncf %concatenate3A : vector<8192x33xf32> to vector<8192x33xbf16>
    %convert_element_type3A_16 = arith.extf %convert_element_type3A_15 : vector<8192x33xbf16> to vector<8192x33xf32>
    %sub3A = arith.subf %concatenate3A, %convert_element_type3A_16 : vector<8192x33xf32>
    %convert_element_type3A_17 = arith.truncf %sub3A : vector<8192x33xf32> to vector<8192x33xbf16>
    %convert_element_type3A_18 = arith.extf %convert_element_type3A_17 : vector<8192x33xbf16> to vector<8192x33xf32>
    %sub3A_19 = arith.subf %sub3A, %convert_element_type3A_18 : vector<8192x33xf32>
    %convert_element_type3A_20 = arith.truncf %sub3A_19 : vector<8192x33xf32> to vector<8192x33xbf16>
    %concatenate3A_21 = tpu.concatenate %convert_element_type3A_15, %convert_element_type3A_17, %convert_element_type3A_20, %convert_element_type3A_15, %convert_element_type3A_17, %convert_element_type3A_15 in 1 : vector<8192x33xbf16>, vector<8192x33xbf16>, vector<8192x33xbf16>, vector<8192x33xbf16>, vector<8192x33xbf16>, vector<8192x33xbf16> -> vector<8192x198xbf16>
    %get3A_22 = arith.constant 0 : index
    %get3A_23 = arith.constant 0 : index
    %get3A_24 = vector.load %arg7[%get3A_22, %get3A_23] : memref<1024x198xbf16, #tpu.memory_space<vmem>>, vector<1024x198xbf16>
    %iota3A = tpu.iota {dimensions = array<i32: 0>} : vector<256x1024xi32>
    %slice3A = vector.extract_strided_slice %concatenate3A_21 {offsets = [0, 0], sizes = [256, 198], strides = [1, 1]} : vector<8192x198xbf16> to vector<256x198xbf16>
    %dot_general3A = arith.constant dense<0.000000e+00> : vector<256x1024xf32>
    %dot_general3A_25 = tpu.matmul %slice3A, %get3A_24, %dot_general3A {dimension_numbers = #tpu.dot_dimension_numbers<[1], [1], [0], [0], [0, 0, 1, 0], [], []>, transpose_lhs_hint = false} : vector<256x198xbf16>, vector<1024x198xbf16>, vector<256x1024xf32> -> vector<256x1024xf32>
    %slice3A_26 = vector.extract_strided_slice %concatenate3A_21 {offsets = [256, 0], sizes = [256, 198], strides = [1, 1]} : vector<8192x198xbf16> to vector<256x198xbf16>
    %dot_general3A_27 = arith.constant dense<0.000000e+00> : vector<256x1024xf32>
    %dot_general3A_28 = tpu.matmul %slice3A_26, %get3A_24, %dot_general3A_27 {dimension_numbers = #tpu.dot_dimension_numbers<[1], [1], [0], [0], [0, 0, 1, 0], [], []>, transpose_lhs_hint = false} : vector<256x198xbf16>, vector<1024x198xbf16>, vector<256x1024xf32> -> vector<256x1024xf32>
    %reduce_min3A = arith.constant dense<0x7F800000> : vector<1024xf32>
    %reduce_min3A_29 = vector.multi_reduction <minimumf>, %dot_general3A_25, %reduce_min3A [0] : vector<256x1024xf32> to vector<1024xf32>
    %broadcast_in_dim3A_30 = vector.shape_cast %reduce_min3A_29 : vector<1024xf32> to vector<1x1024xf32>
    %eq3A_31 = vector.broadcast %broadcast_in_dim3A_30 : vector<1x1024xf32> to vector<256x1024xf32>
    %eq3A_32 = arith.cmpf oeq, %dot_general3A_25, %eq3A_31 : vector<256x1024xf32>
    %jit3A = arith.constant 1073741824 : i32
    %broadcast_in_dim3A_33 = vector.broadcast %jit3A : i32 to vector<256x1024xi32>
    %select_n3A = arith.select %eq3A_32, %iota3A, %broadcast_in_dim3A_33 : vector<256x1024xi1>, vector<256x1024xi32>
    %reduce_min3A_34 = arith.constant dense<2147483647> : vector<1024xi32>
    %reduce_min3A_35 = vector.multi_reduction <minsi>, %select_n3A, %reduce_min3A_34 [0] : vector<256x1024xi32> to vector<1024xi32>
    %broadcast_in_dim3A_36 = vector.shape_cast %reduce_min3A_35 : vector<1024xi32> to vector<1x1024xi32>
    %mul3A_37 = arith.constant 8192 : i32
    %mul3A_38 = arith.muli %arg0, %mul3A_37 : i32
    %add3A = vector.broadcast %mul3A_38 : i32 to vector<1x1024xi32>
    %add3A_39 = arith.addi %broadcast_in_dim3A_36, %add3A : vector<1x1024xi32>
    %add3A_40 = arith.constant 0 : i32
    %add3A_41 = vector.broadcast %add3A_40 : i32 to vector<1x1024xi32>
    %add3A_42 = arith.addi %add3A_39, %add3A_41 : vector<1x1024xi32>
    %get3A_43 = arith.constant 0 : index
    %get3A_44 = arith.constant 0 : index
    %get3A_45 = vector.load %arg8[%get3A_43, %get3A_44] : memref<1x1024xf32, #tpu.memory_space<vmem>>, vector<1x1024xf32>
    %lt3A = arith.cmpf olt, %broadcast_in_dim3A_30, %get3A_45 : vector<1x1024xf32>
    %get3A_46 = arith.constant 0 : index
    %get3A_47 = arith.constant 0 : index
    %get3A_48 = vector.load %arg9[%get3A_46, %get3A_47] : memref<1x1024xi32, #tpu.memory_space<vmem>>, vector<1x1024xi32>
    %select_n3A_49 = arith.select %lt3A, %add3A_42, %get3A_48 : vector<1x1024xi1>, vector<1x1024xi32>
    %swap3A_50 = arith.constant 0 : index
    %swap3A_51 = arith.constant 0 : index
    %swap3A_52 = vector.load %arg9[%swap3A_50, %swap3A_51] : memref<1x1024xi32, #tpu.memory_space<vmem>>, vector<1x1024xi32>
    tpu.vector_store %arg9[%swap3A_50, %swap3A_51], %select_n3A_49 {strides = array<i32>} : memref<1x1024xi32, #tpu.memory_space<vmem>>, vector<1x1024xi32>,
    %get3A_53 = arith.constant 0 : index
    %get3A_54 = arith.constant 0 : index
    %get3A_55 = vector.load %arg8[%get3A_53, %get3A_54] : memref<1x1024xf32, #tpu.memory_space<vmem>>, vector<1x1024xf32>
    %select_n3A_56 = arith.select %lt3A, %broadcast_in_dim3A_30, %get3A_55 : vector<1x1024xi1>, vector<1x1024xf32>
    %swap3A_57 = arith.constant 0 : index
    %swap3A_58 = arith.constant 0 : index
    %swap3A_59 = vector.load %arg8[%swap3A_57, %swap3A_58] : memref<1x1024xf32, #tpu.memory_space<vmem>>, vector<1x1024xf32>
    tpu.vector_store %arg8[%swap3A_57, %swap3A_58], %select_n3A_56 {strides = array<i32>} : memref<1x1024xf32, #tpu.memory_space<vmem>>, vector<1x1024xf32>,
    %slice3A_60 = vector.extract_strided_slice %concatenate3A_21 {offsets = [512, 0], sizes = [256, 198], strides = [1, 1]} : vector<8192x198xbf16> to vector<256x198xbf16>
    %dot_general3A_61 = arith.constant dense<0.000000e+00> : vector<256x1024xf32>
    %dot_general3A_62 = tpu.matmul %slice3A_60, %get3A_24, %dot_general3A_61 {dimension_numbers = #tpu.dot_dimension_numbers<[1], [1], [0], [0], [0, 0, 1, 0], [], []>, transpose_lhs_hint = false} : vector<256x198xbf16>, vector<1024x198xbf16>, vector<256x1024xf32> -> vector<256x1024xf32>
    %reduce_min3A_63 = arith.constant dense<0x7F800000> : vector<1024xf32>
    %reduce_min3A_64 = vector.multi_reduction <minimumf>, %dot_general3A_28, %reduce_min3A_63 [0] : vector<256x1024xf32> to vector<1024xf32>
    %broadcast_in_dim3A_65 = vector.shape_cast %reduce_min3A_64 : vector<1024xf32> to vector<1x1024xf32>
    %eq3A_66 = vector.broadcast %broadcast_in_dim3A_65 : vector<1x1024xf32> to vector<256x1024xf32>
    %eq3A_67 = arith.cmpf oeq, %dot_general3A_28, %eq3A_66 : vector<256x1024xf32>
    %jit3A_68 = arith.constant 1073741824 : i32
    %broadcast_in_dim3A_69 = vector.broadcast %jit3A_68 : i32 to vector<256x1024xi32>
    %select_n3A_70 = arith.select %eq3A_67, %iota3A, %broadcast_in_dim3A_69 : vector<256x1024xi1>, vector<256x1024xi32>
    %reduce_min3A_71 = arith.constant dense<2147483647> : vector<1024xi32>
    %reduce_min3A_72 = vector.multi_reduction <minsi>, %select_n3A_70, %reduce_min3A_71 [0] : vector<256x1024xi32> to vector<1024xi32>
    %broadcast_in_dim3A_73 = vector.shape_cast %reduce_min3A_72 : vector<1024xi32> to vector<1x1024xi32>
    %mul3A_74 = arith.constant 8192 : i32
    %mul3A_75 = arith.muli %arg0, %mul3A_74 : i32
    %add3A_76 = vector.broadcast %mul3A_75 : i32 to vector<1x1024xi32>
    %add3A_77 = arith.addi %broadcast_in_dim3A_73, %add3A_76 : vector<1x1024xi32>
    %add3A_78 = arith.constant 256 : i32
    %add3A_79 = vector.broadcast %add3A_78 : i32 to vector<1x1024xi32>
    %add3A_80 = arith.addi %add3A_77, %add3A_79 : vector<1x1024xi32>
    %get3A_81 = arith.constant 0 : index
    %get3A_82 = arith.constant 0 : index
    %get3A_83 = vector.load %arg8[%get3A_81, %get3A_82] : memref<1x1024xf32, #tpu.memory_space<vmem>>, vector<1x1024xf32>
    %lt3A_84 = arith.cmpf olt, %broadcast_in_dim3A_65, %get3A_83 : vector<1x1024xf32>
    %get3A_85 = arith.constant 0 : index
    %get3A_86 = arith.constant 0 : index
    %get3A_87 = vector.load %arg9[%get3A_85, %get3A_86] : memref<1x1024xi32, #tpu.memory_space<vmem>>, vector<1x1024xi32>
    %select_n3A_88 = arith.select %lt3A_84, %add3A_80, %get3A_87 : vector<1x1024xi1>, vector<1x1024xi32>
    %swap3A_89 = arith.constant 0 : index
    %swap3A_90 = arith.constant 0 : index
    %swap3A_91 = vector.load %arg9[%swap3A_89, %swap3A_90] : memref<1x1024xi32, #tpu.memory_space<vmem>>, vector<1x1024xi32>
    tpu.vector_store %arg9[%swap3A_89, %swap3A_90], %select_n3A_88 {strides = array<i32>} : memref<1x1024xi32, #tpu.memory_space<vmem>>, vector<1x1024xi32>,
    %get3A_92 = arith.constant 0 : index
    %get3A_93 = arith.constant 0 : index
    %get3A_94 = vector.load %arg8[%get3A_92, %get3A_93] : memref<1x1024xf32, #tpu.memory_space<vmem>>, vector<1x1024xf32>
    %select_n3A_95 = arith.select %lt3A_84, %broadcast_in_dim3A_65, %get3A_94 : vector<1x1024xi1>, vector<1x1024xf32>
    %swap3A_96 = arith.constant 0 : index
    %swap3A_97 = arith.constant 0 : index
    %swap3A_98 = vector.load %arg8[%swap3A_96, %swap3A_97] : memref<1x1024xf32, #tpu.memory_space<vmem>>, vector<1x1024xf32>
    tpu.vector_store %arg8[%swap3A_96, %swap3A_97], %select_n3A_95 {strides = array<i32>} : memref<1x1024xf32, #tpu.memory_space<vmem>>, vector<1x1024xf32>,
    %slice3A_99 = vector.extract_strided_slice %concatenate3A_21 {offsets = [768, 0], sizes = [256, 198], strides = [1, 1]} : vector<8192x198xbf16> to vector<256x198xbf16>
    %dot_general3A_100 = arith.constant dense<0.000000e+00> : vector<256x1024xf32>
    %dot_general3A_101 = tpu.matmul %slice3A_99, %get3A_24, %dot_general3A_100 {dimension_numbers = #tpu.dot_dimension_numbers<[1], [1], [0], [0], [0, 0, 1, 0], [], []>, transpose_lhs_hint = false} : vector<256x198xbf16>, vector<1024x198xbf16>, vector<256x1024xf32> -> vector<256x1024xf32>
    %reduce_min3A_102 = arith.constant dense<0x7F800000> : vector<1024xf32>
    %reduce_min3A_103 = vector.multi_reduction <minimumf>, %dot_general3A_62, %reduce_min3A_102 [0] : vector<256x1024xf32> to vector<1024xf32>
    %broadcast_in_dim3A_104 = vector.shape_cast %reduce_min3A_103 : vector<1024xf32> to vector<1x1024xf32>
    %eq3A_105 = vector.broadcast %broadcast_in_dim3A_104 : vector<1x1024xf32> to vector<256x1024xf32>
    %eq3A_106 = arith.cmpf oeq, %dot_general3A_62, %eq3A_105 : vector<256x1024xf32>
    %jit3A_107 = arith.constant 1073741824 : i32
    %broadcast_in_dim3A_108 = vector.broadcast %jit3A_107 : i32 to vector<256x1024xi32>
    %select_n3A_109 = arith.select %eq3A_106, %iota3A, %broadcast_in_dim3A_108 : vector<256x1024xi1>, vector<256x1024xi32>
    %reduce_min3A_110 = arith.constant dense<2147483647> : vector<1024xi32>
    %reduce_min3A_111 = vector.multi_reduction <minsi>, %select_n3A_109, %reduce_min3A_110 [0] : vector<256x1024xi32> to vector<1024xi32>
    %broadcast_in_dim3A_112 = vector.shape_cast %reduce_min3A_111 : vector<1024xi32> to vector<1x1024xi32>
    %mul3A_113 = arith.constant 8192 : i32
    %mul3A_114 = arith.muli %arg0, %mul3A_113 : i32
    %add3A_115 = vector.broadcast %mul3A_114 : i32 to vector<1x1024xi32>
    %add3A_116 = arith.addi %broadcast_in_dim3A_112, %add3A_115 : vector<1x1024xi32>
    %add3A_117 = arith.constant 512 : i32
    %add3A_118 = vector.broadcast %add3A_117 : i32 to vector<1x1024xi32>
    %add3A_119 = arith.addi %add3A_116, %add3A_118 : vector<1x1024xi32>
    %get3A_120 = arith.constant 0 : index
    %get3A_121 = arith.constant 0 : index
    %get3A_122 = vector.load %arg8[%get3A_120, %get3A_121] : memref<1x1024xf32, #tpu.memory_space<vmem>>, vector<1x1024xf32>
    %lt3A_123 = arith.cmpf olt, %broadcast_in_dim3A_104, %get3A_122 : vector<1x1024xf32>
    %get3A_124 = arith.constant 0 : index
    %get3A_125 = arith.constant 0 : index
    %get3A_126 = vector.load %arg9[%get3A_124, %get3A_125] : memref<1x1024xi32, #tpu.memory_space<vmem>>, vector<1x1024xi32>
    %select_n3A_127 = arith.select %lt3A_123, %add3A_119, %get3A_126 : vector<1x1024xi1>, vector<1x1024xi32>
    %swap3A_128 = arith.constant 0 : index
    %swap3A_129 = arith.constant 0 : index
    %swap3A_130 = vector.load %arg9[%swap3A_128, %swap3A_129] : memref<1x1024xi32, #tpu.memory_space<vmem>>, vector<1x1024xi32>
    tpu.vector_store %arg9[%swap3A_128, %swap3A_129], %select_n3A_127 {strides = array<i32>} : memref<1x1024xi32, #tpu.memory_space<vmem>>, vector<1x1024xi32>,
    %get3A_131 = arith.constant 0 : index
    %get3A_132 = arith.constant 0 : index
    %get3A_133 = vector.load %arg8[%get3A_131, %get3A_132] : memref<1x1024xf32, #tpu.memory_space<vmem>>, vector<1x1024xf32>
    %select_n3A_134 = arith.select %lt3A_123, %broadcast_in_dim3A_104, %get3A_133 : vector<1x1024xi1>, vector<1x1024xf32>
    %swap3A_135 = arith.constant 0 : index
    %swap3A_136 = arith.constant 0 : index
    %swap3A_137 = vector.load %arg8[%swap3A_135, %swap3A_136] : memref<1x1024xf32, #tpu.memory_space<vmem>>, vector<1x1024xf32>
    tpu.vector_store %arg8[%swap3A_135, %swap3A_136], %select_n3A_134 {strides = array<i32>} : memref<1x1024xf32, #tpu.memory_space<vmem>>, vector<1x1024xf32>,
    %slice3A_138 = vector.extract_strided_slice %concatenate3A_21 {offsets = [1024, 0], sizes = [256, 198], strides = [1, 1]} : vector<8192x198xbf16> to vector<256x198xbf16>
    %dot_general3A_139 = arith.constant dense<0.000000e+00> : vector<256x1024xf32>
    %dot_general3A_140 = tpu.matmul %slice3A_138, %get3A_24, %dot_general3A_139 {dimension_numbers = #tpu.dot_dimension_numbers<[1], [1], [0], [0], [0, 0, 1, 0], [], []>, transpose_lhs_hint = false} : vector<256x198xbf16>, vector<1024x198xbf16>, vector<256x1024xf32> -> vector<256x1024xf32>
    %reduce_min3A_141 = arith.constant dense<0x7F800000> : vector<1024xf32>
    %reduce_min3A_142 = vector.multi_reduction <minimumf>, %dot_general3A_101, %reduce_min3A_141 [0] : vector<256x1024xf32> to vector<1024xf32>
    %broadcast_in_dim3A_143 = vector.shape_cast %reduce_min3A_142 : vector<1024xf32> to vector<1x1024xf32>
    %eq3A_144 = vector.broadcast %broadcast_in_dim3A_143 : vector<1x1024xf32> to vector<256x1024xf32>
    %eq3A_145 = arith.cmpf oeq, %dot_general3A_101, %eq3A_144 : vector<256x1024xf32>
    %jit3A_146 = arith.constant 1073741824 : i32
    %broadcast_in_dim3A_147 = vector.broadcast %jit3A_146 : i32 to vector<256x1024xi32>
    %select_n3A_148 = arith.select %eq3A_145, %iota3A, %broadcast_in_dim3A_147 : vector<256x1024xi1>, vector<256x1024xi32>
    %reduce_min3A_149 = arith.constant dense<2147483647> : vector<1024xi32>
    %reduce_min3A_150 = vector.multi_reduction <minsi>, %select_n3A_148, %reduce_min3A_149 [0] : vector<256x1024xi32> to vector<1024xi32>
    %broadcast_in_dim3A_151 = vector.shape_cast %reduce_min3A_150 : vector<1024xi32> to vector<1x1024xi32>
    %mul3A_152 = arith.constant 8192 : i32
    %mul3A_153 = arith.muli %arg0, %mul3A_152 : i32
    %add3A_154 = vector.broadcast %mul3A_153 : i32 to vector<1x1024xi32>
    %add3A_155 = arith.addi %broadcast_in_dim3A_151, %add3A_154 : vector<1x1024xi32>
    %add3A_156 = arith.constant 768 : i32
    %add3A_157 = vector.broadcast %add3A_156 : i32 to vector<1x1024xi32>
    %add3A_158 = arith.addi %add3A_155, %add3A_157 : vector<1x1024xi32>
    %get3A_159 = arith.constant 0 : index
    %get3A_160 = arith.constant 0 : index
    %get3A_161 = vector.load %arg8[%get3A_159, %get3A_160] : memref<1x1024xf32, #tpu.memory_space<vmem>>, vector<1x1024xf32>
    %lt3A_162 = arith.cmpf olt, %broadcast_in_dim3A_143, %get3A_161 : vector<1x1024xf32>
    %get3A_163 = arith.constant 0 : index
    %get3A_164 = arith.constant 0 : index
    %get3A_165 = vector.load %arg9[%get3A_163, %get3A_164] : memref<1x1024xi32, #tpu.memory_space<vmem>>, vector<1x1024xi32>
    %select_n3A_166 = arith.select %lt3A_162, %add3A_158, %get3A_165 : vector<1x1024xi1>, vector<1x1024xi32>
    %swap3A_167 = arith.constant 0 : index
    %swap3A_168 = arith.constant 0 : index
    %swap3A_169 = vector.load %arg9[%swap3A_167, %swap3A_168] : memref<1x1024xi32, #tpu.memory_space<vmem>>, vector<1x1024xi32>
    tpu.vector_store %arg9[%swap3A_167, %swap3A_168], %select_n3A_166 {strides = array<i32>} : memref<1x1024xi32, #tpu.memory_space<vmem>>, vector<1x1024xi32>,
    %get3A_170 = arith.constant 0 : index
    %get3A_171 = arith.constant 0 : index
    %get3A_172 = vector.load %arg8[%get3A_170, %get3A_171] : memref<1x1024xf32, #tpu.memory_space<vmem>>, vector<1x1024xf32>
    %select_n3A_173 = arith.select %lt3A_162, %broadcast_in_dim3A_143, %get3A_172 : vector<1x1024xi1>, vector<1x1024xf32>
    %swap3A_174 = arith.constant 0 : index
    %swap3A_175 = arith.constant 0 : index
    %swap3A_176 = vector.load %arg8[%swap3A_174, %swap3A_175] : memref<1x1024xf32, #tpu.memory_space<vmem>>, vector<1x1024xf32>
    tpu.vector_store %arg8[%swap3A_174, %swap3A_175], %select_n3A_173 {strides = array<i32>} : memref<1x1024xf32, #tpu.memory_space<vmem>>, vector<1x1024xf32>,
    %slice3A_177 = vector.extract_strided_slice %concatenate3A_21 {offsets = [1280, 0], sizes = [256, 198], strides = [1, 1]} : vector<8192x198xbf16> to vector<256x198xbf16>
    %dot_general3A_178 = arith.constant dense<0.000000e+00> : vector<256x1024xf32>
    %dot_general3A_179 = tpu.matmul %slice3A_177, %get3A_24, %dot_general3A_178 {dimension_numbers = #tpu.dot_dimension_numbers<[1], [1], [0], [0], [0, 0, 1, 0], [], []>, transpose_lhs_hint = false} : vector<256x198xbf16>, vector<1024x198xbf16>, vector<256x1024xf32> -> vector<256x1024xf32>
    %reduce_min3A_180 = arith.constant dense<0x7F800000> : vector<1024xf32>
    %reduce_min3A_181 = vector.multi_reduction <minimumf>, %dot_general3A_140, %reduce_min3A_180 [0] : vector<256x1024xf32> to vector<1024xf32>
    %broadcast_in_dim3A_182 = vector.shape_cast %reduce_min3A_181 : vector<1024xf32> to vector<1x1024xf32>
    %eq3A_183 = vector.broadcast %broadcast_in_dim3A_182 : vector<1x1024xf32> to vector<256x1024xf32>
    %eq3A_184 = arith.cmpf oeq, %dot_general3A_140, %eq3A_183 : vector<256x1024xf32>
    %jit3A_185 = arith.constant 1073741824 : i32
    %broadcast_in_dim3A_186 = vector.broadcast %jit3A_185 : i32 to vector<256x1024xi32>
    %select_n3A_187 = arith.select %eq3A_184, %iota3A, %broadcast_in_dim3A_186 : vector<256x1024xi1>, vector<256x1024xi32>
    %reduce_min3A_188 = arith.constant dense<2147483647> : vector<1024xi32>
    %reduce_min3A_189 = vector.multi_reduction <minsi>, %select_n3A_187, %reduce_min3A_188 [0] : vector<256x1024xi32> to vector<1024xi32>
    %broadcast_in_dim3A_190 = vector.shape_cast %reduce_min3A_189 : vector<1024xi32> to vector<1x1024xi32>
    %mul3A_191 = arith.constant 8192 : i32
    %mul3A_192 = arith.muli %arg0, %mul3A_191 : i32
    %add3A_193 = vector.broadcast %mul3A_192 : i32 to vector<1x1024xi32>
    %add3A_194 = arith.addi %broadcast_in_dim3A_190, %add3A_193 : vector<1x1024xi32>
    %add3A_195 = arith.constant 1024 : i32
    %add3A_196 = vector.broadcast %add3A_195 : i32 to vector<1x1024xi32>
    %add3A_197 = arith.addi %add3A_194, %add3A_196 : vector<1x1024xi32>
    %get3A_198 = arith.constant 0 : index
    %get3A_199 = arith.constant 0 : index
    %get3A_200 = vector.load %arg8[%get3A_198, %get3A_199] : memref<1x1024xf32, #tpu.memory_space<vmem>>, vector<1x1024xf32>
    %lt3A_201 = arith.cmpf olt, %broadcast_in_dim3A_182, %get3A_200 : vector<1x1024xf32>
    %get3A_202 = arith.constant 0 : index
    %get3A_203 = arith.constant 0 : index
    %get3A_204 = vector.load %arg9[%get3A_202, %get3A_203] : memref<1x1024xi32, #tpu.memory_space<vmem>>, vector<1x1024xi32>
    %select_n3A_205 = arith.select %lt3A_201, %add3A_197, %get3A_204 : vector<1x1024xi1>, vector<1x1024xi32>
    %swap3A_206 = arith.constant 0 : index
    %swap3A_207 = arith.constant 0 : index
    %swap3A_208 = vector.load %arg9[%swap3A_206, %swap3A_207] : memref<1x1024xi32, #tpu.memory_space<vmem>>, vector<1x1024xi32>
    tpu.vector_store %arg9[%swap3A_206, %swap3A_207], %select_n3A_205 {strides = array<i32>} : memref<1x1024xi32, #tpu.memory_space<vmem>>, vector<1x1024xi32>,
    %get3A_209 = arith.constant 0 : index
    %get3A_210 = arith.constant 0 : index
    %get3A_211 = vector.load %arg8[%get3A_209, %get3A_210] : memref<1x1024xf32, #tpu.memory_space<vmem>>, vector<1x1024xf32>
    %select_n3A_212 = arith.select %lt3A_201, %broadcast_in_dim3A_182, %get3A_211 : vector<1x1024xi1>, vector<1x1024xf32>
    %swap3A_213 = arith.constant 0 : index
    %swap3A_214 = arith.constant 0 : index
    %swap3A_215 = vector.load %arg8[%swap3A_213, %swap3A_214] : memref<1x1024xf32, #tpu.memory_space<vmem>>, vector<1x1024xf32>
    tpu.vector_store %arg8[%swap3A_213, %swap3A_214], %select_n3A_212 {strides = array<i32>} : memref<1x1024xf32, #tpu.memory_space<vmem>>, vector<1x1024xf32>,
    %slice3A_216 = vector.extract_strided_slice %concatenate3A_21 {offsets = [1536, 0], sizes = [256, 198], strides = [1, 1]} : vector<8192x198xbf16> to vector<256x198xbf16>
    %dot_general3A_217 = arith.constant dense<0.000000e+00> : vector<256x1024xf32>
    %dot_general3A_218 = tpu.matmul %slice3A_216, %get3A_24, %dot_general3A_217 {dimension_numbers = #tpu.dot_dimension_numbers<[1], [1], [0], [0], [0, 0, 1, 0], [], []>, transpose_lhs_hint = false} : vector<256x198xbf16>, vector<1024x198xbf16>, vector<256x1024xf32> -> vector<256x1024xf32>
    %reduce_min3A_219 = arith.constant dense<0x7F800000> : vector<1024xf32>
    %reduce_min3A_220 = vector.multi_reduction <minimumf>, %dot_general3A_179, %reduce_min3A_219 [0] : vector<256x1024xf32> to vector<1024xf32>
    %broadcast_in_dim3A_221 = vector.shape_cast %reduce_min3A_220 : vector<1024xf32> to vector<1x1024xf32>
    %eq3A_222 = vector.broadcast %broadcast_in_dim3A_221 : vector<1x1024xf32> to vector<256x1024xf32>
    %eq3A_223 = arith.cmpf oeq, %dot_general3A_179, %eq3A_222 : vector<256x1024xf32>
    %jit3A_224 = arith.constant 1073741824 : i32
    %broadcast_in_dim3A_225 = vector.broadcast %jit3A_224 : i32 to vector<256x1024xi32>
    %select_n3A_226 = arith.select %eq3A_223, %iota3A, %broadcast_in_dim3A_225 : vector<256x1024xi1>, vector<256x1024xi32>
    %reduce_min3A_227 = arith.constant dense<2147483647> : vector<1024xi32>
    %reduce_min3A_228 = vector.multi_reduction <minsi>, %select_n3A_226, %reduce_min3A_227 [0] : vector<256x1024xi32> to vector<1024xi32>
    %broadcast_in_dim3A_229 = vector.shape_cast %reduce_min3A_228 : vector<1024xi32> to vector<1x1024xi32>
    %mul3A_230 = arith.constant 8192 : i32
    %mul3A_231 = arith.muli %arg0, %mul3A_230 : i32
    %add3A_232 = vector.broadcast %mul3A_231 : i32 to vector<1x1024xi32>
    %add3A_233 = arith.addi %broadcast_in_dim3A_229, %add3A_232 : vector<1x1024xi32>
    %add3A_234 = arith.constant 1280 : i32
    %add3A_235 = vector.broadcast %add3A_234 : i32 to vector<1x1024xi32>
    %add3A_236 = arith.addi %add3A_233, %add3A_235 : vector<1x1024xi32>
    %get3A_237 = arith.constant 0 : index
    %get3A_238 = arith.constant 0 : index
    %get3A_239 = vector.load %arg8[%get3A_237, %get3A_238] : memref<1x1024xf32, #tpu.memory_space<vmem>>, vector<1x1024xf32>
    %lt3A_240 = arith.cmpf olt, %broadcast_in_dim3A_221, %get3A_239 : vector<1x1024xf32>
    %get3A_241 = arith.constant 0 : index
    %get3A_242 = arith.constant 0 : index
    %get3A_243 = vector.load %arg9[%get3A_241, %get3A_242] : memref<1x1024xi32, #tpu.memory_space<vmem>>, vector<1x1024xi32>
    %select_n3A_244 = arith.select %lt3A_240, %add3A_236, %get3A_243 : vector<1x1024xi1>, vector<1x1024xi32>
    %swap3A_245 = arith.constant 0 : index
    %swap3A_246 = arith.constant 0 : index
    %swap3A_247 = vector.load %arg9[%swap3A_245, %swap3A_246] : memref<1x1024xi32, #tpu.memory_space<vmem>>, vector<1x1024xi32>
    tpu.vector_store %arg9[%swap3A_245, %swap3A_246], %select_n3A_244 {strides = array<i32>} : memref<1x1024xi32, #tpu.memory_space<vmem>>, vector<1x1024xi32>,
    %get3A_248 = arith.constant 0 : index
    %get3A_249 = arith.constant 0 : index
    %get3A_250 = vector.load %arg8[%get3A_248, %get3A_249] : memref<1x1024xf32, #tpu.memory_space<vmem>>, vector<1x1024xf32>
    %select_n3A_251 = arith.select %lt3A_240, %broadcast_in_dim3A_221, %get3A_250 : vector<1x1024xi1>, vector<1x1024xf32>
    %swap3A_252 = arith.constant 0 : index
    %swap3A_253 = arith.constant 0 : index
    %swap3A_254 = vector.load %arg8[%swap3A_252, %swap3A_253] : memref<1x1024xf32, #tpu.memory_space<vmem>>, vector<1x1024xf32>
    tpu.vector_store %arg8[%swap3A_252, %swap3A_253], %select_n3A_251 {strides = array<i32>} : memref<1x1024xf32, #tpu.memory_space<vmem>>, vector<1x1024xf32>,
    %slice3A_255 = vector.extract_strided_slice %concatenate3A_21 {offsets = [1792, 0], sizes = [256, 198], strides = [1, 1]} : vector<8192x198xbf16> to vector<256x198xbf16>
    %dot_general3A_256 = arith.constant dense<0.000000e+00> : vector<256x1024xf32>
    %dot_general3A_257 = tpu.matmul %slice3A_255, %get3A_24, %dot_general3A_256 {dimension_numbers = #tpu.dot_dimension_numbers<[1], [1], [0], [0], [0, 0, 1, 0], [], []>, transpose_lhs_hint = false} : vector<256x198xbf16>, vector<1024x198xbf16>, vector<256x1024xf32> -> vector<256x1024xf32>
    %reduce_min3A_258 = arith.constant dense<0x7F800000> : vector<1024xf32>
    %reduce_min3A_259 = vector.multi_reduction <minimumf>, %dot_general3A_218, %reduce_min3A_258 [0] : vector<256x1024xf32> to vector<1024xf32>
    %broadcast_in_dim3A_260 = vector.shape_cast %reduce_min3A_259 : vector<1024xf32> to vector<1x1024xf32>
    %eq3A_261 = vector.broadcast %broadcast_in_dim3A_260 : vector<1x1024xf32> to vector<256x1024xf32>
    %eq3A_262 = arith.cmpf oeq, %dot_general3A_218, %eq3A_261 : vector<256x1024xf32>
    %jit3A_263 = arith.constant 1073741824 : i32
    %broadcast_in_dim3A_264 = vector.broadcast %jit3A_263 : i32 to vector<256x1024xi32>
    %select_n3A_265 = arith.select %eq3A_262, %iota3A, %broadcast_in_dim3A_264 : vector<256x1024xi1>, vector<256x1024xi32>
    %reduce_min3A_266 = arith.constant dense<2147483647> : vector<1024xi32>
    %reduce_min3A_267 = vector.multi_reduction <minsi>, %select_n3A_265, %reduce_min3A_266 [0] : vector<256x1024xi32> to vector<1024xi32>
    %broadcast_in_dim3A_268 = vector.shape_cast %reduce_min3A_267 : vector<1024xi32> to vector<1x1024xi32>
    %mul3A_269 = arith.constant 8192 : i32
    %mul3A_270 = arith.muli %arg0, %mul3A_269 : i32
    %add3A_271 = vector.broadcast %mul3A_270 : i32 to vector<1x1024xi32>
    %add3A_272 = arith.addi %broadcast_in_dim3A_268, %add3A_271 : vector<1x1024xi32>
    %add3A_273 = arith.constant 1536 : i32
    %add3A_274 = vector.broadcast %add3A_273 : i32 to vector<1x1024xi32>
    %add3A_275 = arith.addi %add3A_272, %add3A_274 : vector<1x1024xi32>
    %get3A_276 = arith.constant 0 : index
    %get3A_277 = arith.constant 0 : index
    %get3A_278 = vector.load %arg8[%get3A_276, %get3A_277] : memref<1x1024xf32, #tpu.memory_space<vmem>>, vector<1x1024xf32>
    %lt3A_279 = arith.cmpf olt, %broadcast_in_dim3A_260, %get3A_278 : vector<1x1024xf32>
    %get3A_280 = arith.constant 0 : index
    %get3A_281 = arith.constant 0 : index
    %get3A_282 = vector.load %arg9[%get3A_280, %get3A_281] : memref<1x1024xi32, #tpu.memory_space<vmem>>, vector<1x1024xi32>
    %select_n3A_283 = arith.select %lt3A_279, %add3A_275, %get3A_282 : vector<1x1024xi1>, vector<1x1024xi32>
    %swap3A_284 = arith.constant 0 : index
    %swap3A_285 = arith.constant 0 : index
    %swap3A_286 = vector.load %arg9[%swap3A_284, %swap3A_285] : memref<1x1024xi32, #tpu.memory_space<vmem>>, vector<1x1024xi32>
    tpu.vector_store %arg9[%swap3A_284, %swap3A_285], %select_n3A_283 {strides = array<i32>} : memref<1x1024xi32, #tpu.memory_space<vmem>>, vector<1x1024xi32>,
    %get3A_287 = arith.constant 0 : index
    %get3A_288 = arith.constant 0 : index
    %get3A_289 = vector.load %arg8[%get3A_287, %get3A_288] : memref<1x1024xf32, #tpu.memory_space<vmem>>, vector<1x1024xf32>
    %select_n3A_290 = arith.select %lt3A_279, %broadcast_in_dim3A_260, %get3A_289 : vector<1x1024xi1>, vector<1x1024xf32>
    %swap3A_291 = arith.constant 0 : index
    %swap3A_292 = arith.constant 0 : index
    %swap3A_293 = vector.load %arg8[%swap3A_291, %swap3A_292] : memref<1x1024xf32, #tpu.memory_space<vmem>>, vector<1x1024xf32>
    tpu.vector_store %arg8[%swap3A_291, %swap3A_292], %select_n3A_290 {strides = array<i32>} : memref<1x1024xf32, #tpu.memory_space<vmem>>, vector<1x1024xf32>,
    %slice3A_294 = vector.extract_strided_slice %concatenate3A_21 {offsets = [2048, 0], sizes = [256, 198], strides = [1, 1]} : vector<8192x198xbf16> to vector<256x198xbf16>
    %dot_general3A_295 = arith.constant dense<0.000000e+00> : vector<256x1024xf32>
    %dot_general3A_296 = tpu.matmul %slice3A_294, %get3A_24, %dot_general3A_295 {dimension_numbers = #tpu.dot_dimension_numbers<[1], [1], [0], [0], [0, 0, 1, 0], [], []>, transpose_lhs_hint = false} : vector<256x198xbf16>, vector<1024x198xbf16>, vector<256x1024xf32> -> vector<256x1024xf32>
    %reduce_min3A_297 = arith.constant dense<0x7F800000> : vector<1024xf32>
    %reduce_min3A_298 = vector.multi_reduction <minimumf>, %dot_general3A_257, %reduce_min3A_297 [0] : vector<256x1024xf32> to vector<1024xf32>
    %broadcast_in_dim3A_299 = vector.shape_cast %reduce_min3A_298 : vector<1024xf32> to vector<1x1024xf32>
    %eq3A_300 = vector.broadcast %broadcast_in_dim3A_299 : vector<1x1024xf32> to vector<256x1024xf32>
    %eq3A_301 = arith.cmpf oeq, %dot_general3A_257, %eq3A_300 : vector<256x1024xf32>
    %jit3A_302 = arith.constant 1073741824 : i32
    %broadcast_in_dim3A_303 = vector.broadcast %jit3A_302 : i32 to vector<256x1024xi32>
    %select_n3A_304 = arith.select %eq3A_301, %iota3A, %broadcast_in_dim3A_303 : vector<256x1024xi1>, vector<256x1024xi32>
    %reduce_min3A_305 = arith.constant dense<2147483647> : vector<1024xi32>
    %reduce_min3A_306 = vector.multi_reduction <minsi>, %select_n3A_304, %reduce_min3A_305 [0] : vector<256x1024xi32> to vector<1024xi32>
    %broadcast_in_dim3A_307 = vector.shape_cast %reduce_min3A_306 : vector<1024xi32> to vector<1x1024xi32>
    %mul3A_308 = arith.constant 8192 : i32
    %mul3A_309 = arith.muli %arg0, %mul3A_308 : i32
    %add3A_310 = vector.broadcast %mul3A_309 : i32 to vector<1x1024xi32>
    %add3A_311 = arith.addi %broadcast_in_dim3A_307, %add3A_310 : vector<1x1024xi32>
    %add3A_312 = arith.constant 1792 : i32
    %add3A_313 = vector.broadcast %add3A_312 : i32 to vector<1x1024xi32>
    %add3A_314 = arith.addi %add3A_311, %add3A_313 : vector<1x1024xi32>
    %get3A_315 = arith.constant 0 : index
    %get3A_316 = arith.constant 0 : index
    %get3A_317 = vector.load %arg8[%get3A_315, %get3A_316] : memref<1x1024xf32, #tpu.memory_space<vmem>>, vector<1x1024xf32>
    %lt3A_318 = arith.cmpf olt, %broadcast_in_dim3A_299, %get3A_317 : vector<1x1024xf32>
    %get3A_319 = arith.constant 0 : index
    %get3A_320 = arith.constant 0 : index
    %get3A_321 = vector.load %arg9[%get3A_319, %get3A_320] : memref<1x1024xi32, #tpu.memory_space<vmem>>, vector<1x1024xi32>
    %select_n3A_322 = arith.select %lt3A_318, %add3A_314, %get3A_321 : vector<1x1024xi1>, vector<1x1024xi32>
    %swap3A_323 = arith.constant 0 : index
    %swap3A_324 = arith.constant 0 : index
    %swap3A_325 = vector.load %arg9[%swap3A_323, %swap3A_324] : memref<1x1024xi32, #tpu.memory_space<vmem>>, vector<1x1024xi32>
    tpu.vector_store %arg9[%swap3A_323, %swap3A_324], %select_n3A_322 {strides = array<i32>} : memref<1x1024xi32, #tpu.memory_space<vmem>>, vector<1x1024xi32>,
    %get3A_326 = arith.constant 0 : index
    %get3A_327 = arith.constant 0 : index
    %get3A_328 = vector.load %arg8[%get3A_326, %get3A_327] : memref<1x1024xf32, #tpu.memory_space<vmem>>, vector<1x1024xf32>
    %select_n3A_329 = arith.select %lt3A_318, %broadcast_in_dim3A_299, %get3A_328 : vector<1x1024xi1>, vector<1x1024xf32>
    %swap3A_330 = arith.constant 0 : index
    %swap3A_331 = arith.constant 0 : index
    %swap3A_332 = vector.load %arg8[%swap3A_330, %swap3A_331] : memref<1x1024xf32, #tpu.memory_space<vmem>>, vector<1x1024xf32>
    tpu.vector_store %arg8[%swap3A_330, %swap3A_331], %select_n3A_329 {strides = array<i32>} : memref<1x1024xf32, #tpu.memory_space<vmem>>, vector<1x1024xf32>,
    %slice3A_333 = vector.extract_strided_slice %concatenate3A_21 {offsets = [2304, 0], sizes = [256, 198], strides = [1, 1]} : vector<8192x198xbf16> to vector<256x198xbf16>
    %dot_general3A_334 = arith.constant dense<0.000000e+00> : vector<256x1024xf32>
    %dot_general3A_335 = tpu.matmul %slice3A_333, %get3A_24, %dot_general3A_334 {dimension_numbers = #tpu.dot_dimension_numbers<[1], [1], [0], [0], [0, 0, 1, 0], [], []>, transpose_lhs_hint = false} : vector<256x198xbf16>, vector<1024x198xbf16>, vector<256x1024xf32> -> vector<256x1024xf32>
    %reduce_min3A_336 = arith.constant dense<0x7F800000> : vector<1024xf32>
    %reduce_min3A_337 = vector.multi_reduction <minimumf>, %dot_general3A_296, %reduce_min3A_336 [0] : vector<256x1024xf32> to vector<1024xf32>
    %broadcast_in_dim3A_338 = vector.shape_cast %reduce_min3A_337 : vector<1024xf32> to vector<1x1024xf32>
    %eq3A_339 = vector.broadcast %broadcast_in_dim3A_338 : vector<1x1024xf32> to vector<256x1024xf32>
    %eq3A_340 = arith.cmpf oeq, %dot_general3A_296, %eq3A_339 : vector<256x1024xf32>
    %jit3A_341 = arith.constant 1073741824 : i32
    %broadcast_in_dim3A_342 = vector.broadcast %jit3A_341 : i32 to vector<256x1024xi32>
    %select_n3A_343 = arith.select %eq3A_340, %iota3A, %broadcast_in_dim3A_342 : vector<256x1024xi1>, vector<256x1024xi32>
    %reduce_min3A_344 = arith.constant dense<2147483647> : vector<1024xi32>
    %reduce_min3A_345 = vector.multi_reduction <minsi>, %select_n3A_343, %reduce_min3A_344 [0] : vector<256x1024xi32> to vector<1024xi32>
    %broadcast_in_dim3A_346 = vector.shape_cast %reduce_min3A_345 : vector<1024xi32> to vector<1x1024xi32>
    %mul3A_347 = arith.constant 8192 : i32
    %mul3A_348 = arith.muli %arg0, %mul3A_347 : i32
    %add3A_349 = vector.broadcast %mul3A_348 : i32 to vector<1x1024xi32>
    %add3A_350 = arith.addi %broadcast_in_dim3A_346, %add3A_349 : vector<1x1024xi32>
    %add3A_351 = arith.constant 2048 : i32
    %add3A_352 = vector.broadcast %add3A_351 : i32 to vector<1x1024xi32>
    %add3A_353 = arith.addi %add3A_350, %add3A_352 : vector<1x1024xi32>
    %get3A_354 = arith.constant 0 : index
    %get3A_355 = arith.constant 0 : index
    %get3A_356 = vector.load %arg8[%get3A_354, %get3A_355] : memref<1x1024xf32, #tpu.memory_space<vmem>>, vector<1x1024xf32>
    %lt3A_357 = arith.cmpf olt, %broadcast_in_dim3A_338, %get3A_356 : vector<1x1024xf32>
    %get3A_358 = arith.constant 0 : index
    %get3A_359 = arith.constant 0 : index
    %get3A_360 = vector.load %arg9[%get3A_358, %get3A_359] : memref<1x1024xi32, #tpu.memory_space<vmem>>, vector<1x1024xi32>
    %select_n3A_361 = arith.select %lt3A_357, %add3A_353, %get3A_360 : vector<1x1024xi1>, vector<1x1024xi32>
    %swap3A_362 = arith.constant 0 : index
    %swap3A_363 = arith.constant 0 : index
    %swap3A_364 = vector.load %arg9[%swap3A_362, %swap3A_363] : memref<1x1024xi32, #tpu.memory_space<vmem>>, vector<1x1024xi32>
    tpu.vector_store %arg9[%swap3A_362, %swap3A_363], %select_n3A_361 {strides = array<i32>} : memref<1x1024xi32, #tpu.memory_space<vmem>>, vector<1x1024xi32>,
    %get3A_365 = arith.constant 0 : index
    %get3A_366 = arith.constant 0 : index
    %get3A_367 = vector.load %arg8[%get3A_365, %get3A_366] : memref<1x1024xf32, #tpu.memory_space<vmem>>, vector<1x1024xf32>
    %select_n3A_368 = arith.select %lt3A_357, %broadcast_in_dim3A_338, %get3A_367 : vector<1x1024xi1>, vector<1x1024xf32>
    %swap3A_369 = arith.constant 0 : index
    %swap3A_370 = arith.constant 0 : index
    %swap3A_371 = vector.load %arg8[%swap3A_369, %swap3A_370] : memref<1x1024xf32, #tpu.memory_space<vmem>>, vector<1x1024xf32>
    tpu.vector_store %arg8[%swap3A_369, %swap3A_370], %select_n3A_368 {strides = array<i32>} : memref<1x1024xf32, #tpu.memory_space<vmem>>, vector<1x1024xf32>,
    %slice3A_372 = vector.extract_strided_slice %concatenate3A_21 {offsets = [2560, 0], sizes = [256, 198], strides = [1, 1]} : vector<8192x198xbf16> to vector<256x198xbf16>
    %dot_general3A_373 = arith.constant dense<0.000000e+00> : vector<256x1024xf32>
    %dot_general3A_374 = tpu.matmul %slice3A_372, %get3A_24, %dot_general3A_373 {dimension_numbers = #tpu.dot_dimension_numbers<[1], [1], [0], [0], [0, 0, 1, 0], [], []>, transpose_lhs_hint = false} : vector<256x198xbf16>, vector<1024x198xbf16>, vector<256x1024xf32> -> vector<256x1024xf32>
    %reduce_min3A_375 = arith.constant dense<0x7F800000> : vector<1024xf32>
    %reduce_min3A_376 = vector.multi_reduction <minimumf>, %dot_general3A_335, %reduce_min3A_375 [0] : vector<256x1024xf32> to vector<1024xf32>
    %broadcast_in_dim3A_377 = vector.shape_cast %reduce_min3A_376 : vector<1024xf32> to vector<1x1024xf32>
    %eq3A_378 = vector.broadcast %broadcast_in_dim3A_377 : vector<1x1024xf32> to vector<256x1024xf32>
    %eq3A_379 = arith.cmpf oeq, %dot_general3A_335, %eq3A_378 : vector<256x1024xf32>
    %jit3A_380 = arith.constant 1073741824 : i32
    %broadcast_in_dim3A_381 = vector.broadcast %jit3A_380 : i32 to vector<256x1024xi32>
    %select_n3A_382 = arith.select %eq3A_379, %iota3A, %broadcast_in_dim3A_381 : vector<256x1024xi1>, vector<256x1024xi32>
    %reduce_min3A_383 = arith.constant dense<2147483647> : vector<1024xi32>
    %reduce_min3A_384 = vector.multi_reduction <minsi>, %select_n3A_382, %reduce_min3A_383 [0] : vector<256x1024xi32> to vector<1024xi32>
    %broadcast_in_dim3A_385 = vector.shape_cast %reduce_min3A_384 : vector<1024xi32> to vector<1x1024xi32>
    %mul3A_386 = arith.constant 8192 : i32
    %mul3A_387 = arith.muli %arg0, %mul3A_386 : i32
    %add3A_388 = vector.broadcast %mul3A_387 : i32 to vector<1x1024xi32>
    %add3A_389 = arith.addi %broadcast_in_dim3A_385, %add3A_388 : vector<1x1024xi32>
    %add3A_390 = arith.constant 2304 : i32
    %add3A_391 = vector.broadcast %add3A_390 : i32 to vector<1x1024xi32>
    %add3A_392 = arith.addi %add3A_389, %add3A_391 : vector<1x1024xi32>
    %get3A_393 = arith.constant 0 : index
    %get3A_394 = arith.constant 0 : index
    %get3A_395 = vector.load %arg8[%get3A_393, %get3A_394] : memref<1x1024xf32, #tpu.memory_space<vmem>>, vector<1x1024xf32>
    %lt3A_396 = arith.cmpf olt, %broadcast_in_dim3A_377, %get3A_395 : vector<1x1024xf32>
    %get3A_397 = arith.constant 0 : index
    %get3A_398 = arith.constant 0 : index
    %get3A_399 = vector.load %arg9[%get3A_397, %get3A_398] : memref<1x1024xi32, #tpu.memory_space<vmem>>, vector<1x1024xi32>
    %select_n3A_400 = arith.select %lt3A_396, %add3A_392, %get3A_399 : vector<1x1024xi1>, vector<1x1024xi32>
    %swap3A_401 = arith.constant 0 : index
    %swap3A_402 = arith.constant 0 : index
    %swap3A_403 = vector.load %arg9[%swap3A_401, %swap3A_402] : memref<1x1024xi32, #tpu.memory_space<vmem>>, vector<1x1024xi32>
    tpu.vector_store %arg9[%swap3A_401, %swap3A_402], %select_n3A_400 {strides = array<i32>} : memref<1x1024xi32, #tpu.memory_space<vmem>>, vector<1x1024xi32>,
    %get3A_404 = arith.constant 0 : index
    %get3A_405 = arith.constant 0 : index
    %get3A_406 = vector.load %arg8[%get3A_404, %get3A_405] : memref<1x1024xf32, #tpu.memory_space<vmem>>, vector<1x1024xf32>
    %select_n3A_407 = arith.select %lt3A_396, %broadcast_in_dim3A_377, %get3A_406 : vector<1x1024xi1>, vector<1x1024xf32>
    %swap3A_408 = arith.constant 0 : index
    %swap3A_409 = arith.constant 0 : index
    %swap3A_410 = vector.load %arg8[%swap3A_408, %swap3A_409] : memref<1x1024xf32, #tpu.memory_space<vmem>>, vector<1x1024xf32>
    tpu.vector_store %arg8[%swap3A_408, %swap3A_409], %select_n3A_407 {strides = array<i32>} : memref<1x1024xf32, #tpu.memory_space<vmem>>, vector<1x1024xf32>,
    %slice3A_411 = vector.extract_strided_slice %concatenate3A_21 {offsets = [2816, 0], sizes = [256, 198], strides = [1, 1]} : vector<8192x198xbf16> to vector<256x198xbf16>
    %dot_general3A_412 = arith.constant dense<0.000000e+00> : vector<256x1024xf32>
    %dot_general3A_413 = tpu.matmul %slice3A_411, %get3A_24, %dot_general3A_412 {dimension_numbers = #tpu.dot_dimension_numbers<[1], [1], [0], [0], [0, 0, 1, 0], [], []>, transpose_lhs_hint = false} : vector<256x198xbf16>, vector<1024x198xbf16>, vector<256x1024xf32> -> vector<256x1024xf32>
    %reduce_min3A_414 = arith.constant dense<0x7F800000> : vector<1024xf32>
    %reduce_min3A_415 = vector.multi_reduction <minimumf>, %dot_general3A_374, %reduce_min3A_414 [0] : vector<256x1024xf32> to vector<1024xf32>
    %broadcast_in_dim3A_416 = vector.shape_cast %reduce_min3A_415 : vector<1024xf32> to vector<1x1024xf32>
    %eq3A_417 = vector.broadcast %broadcast_in_dim3A_416 : vector<1x1024xf32> to vector<256x1024xf32>
    %eq3A_418 = arith.cmpf oeq, %dot_general3A_374, %eq3A_417 : vector<256x1024xf32>
    %jit3A_419 = arith.constant 1073741824 : i32
    %broadcast_in_dim3A_420 = vector.broadcast %jit3A_419 : i32 to vector<256x1024xi32>
    %select_n3A_421 = arith.select %eq3A_418, %iota3A, %broadcast_in_dim3A_420 : vector<256x1024xi1>, vector<256x1024xi32>
    %reduce_min3A_422 = arith.constant dense<2147483647> : vector<1024xi32>
    %reduce_min3A_423 = vector.multi_reduction <minsi>, %select_n3A_421, %reduce_min3A_422 [0] : vector<256x1024xi32> to vector<1024xi32>
    %broadcast_in_dim3A_424 = vector.shape_cast %reduce_min3A_423 : vector<1024xi32> to vector<1x1024xi32>
    %mul3A_425 = arith.constant 8192 : i32
    %mul3A_426 = arith.muli %arg0, %mul3A_425 : i32
    %add3A_427 = vector.broadcast %mul3A_426 : i32 to vector<1x1024xi32>
    %add3A_428 = arith.addi %broadcast_in_dim3A_424, %add3A_427 : vector<1x1024xi32>
    %add3A_429 = arith.constant 2560 : i32
    %add3A_430 = vector.broadcast %add3A_429 : i32 to vector<1x1024xi32>
    %add3A_431 = arith.addi %add3A_428, %add3A_430 : vector<1x1024xi32>
    %get3A_432 = arith.constant 0 : index
    %get3A_433 = arith.constant 0 : index
    %get3A_434 = vector.load %arg8[%get3A_432, %get3A_433] : memref<1x1024xf32, #tpu.memory_space<vmem>>, vector<1x1024xf32>
    %lt3A_435 = arith.cmpf olt, %broadcast_in_dim3A_416, %get3A_434 : vector<1x1024xf32>
    %get3A_436 = arith.constant 0 : index
    %get3A_437 = arith.constant 0 : index
    %get3A_438 = vector.load %arg9[%get3A_436, %get3A_437] : memref<1x1024xi32, #tpu.memory_space<vmem>>, vector<1x1024xi32>
    %select_n3A_439 = arith.select %lt3A_435, %add3A_431, %get3A_438 : vector<1x1024xi1>, vector<1x1024xi32>
    %swap3A_440 = arith.constant 0 : index
    %swap3A_441 = arith.constant 0 : index
    %swap3A_442 = vector.load %arg9[%swap3A_440, %swap3A_441] : memref<1x1024xi32, #tpu.memory_space<vmem>>, vector<1x1024xi32>
    tpu.vector_store %arg9[%swap3A_440, %swap3A_441], %select_n3A_439 {strides = array<i32>} : memref<1x1024xi32, #tpu.memory_space<vmem>>, vector<1x1024xi32>,
    %get3A_443 = arith.constant 0 : index
    %get3A_444 = arith.constant 0 : index
    %get3A_445 = vector.load %arg8[%get3A_443, %get3A_444] : memref<1x1024xf32, #tpu.memory_space<vmem>>, vector<1x1024xf32>
    %select_n3A_446 = arith.select %lt3A_435, %broadcast_in_dim3A_416, %get3A_445 : vector<1x1024xi1>, vector<1x1024xf32>
    %swap3A_447 = arith.constant 0 : index
    %swap3A_448 = arith.constant 0 : index
    %swap3A_449 = vector.load %arg8[%swap3A_447, %swap3A_448] : memref<1x1024xf32, #tpu.memory_space<vmem>>, vector<1x1024xf32>
    tpu.vector_store %arg8[%swap3A_447, %swap3A_448], %select_n3A_446 {strides = array<i32>} : memref<1x1024xf32, #tpu.memory_space<vmem>>, vector<1x1024xf32>,
    %slice3A_450 = vector.extract_strided_slice %concatenate3A_21 {offsets = [3072, 0], sizes = [256, 198], strides = [1, 1]} : vector<8192x198xbf16> to vector<256x198xbf16>
    %dot_general3A_451 = arith.constant dense<0.000000e+00> : vector<256x1024xf32>
    %dot_general3A_452 = tpu.matmul %slice3A_450, %get3A_24, %dot_general3A_451 {dimension_numbers = #tpu.dot_dimension_numbers<[1], [1], [0], [0], [0, 0, 1, 0], [], []>, transpose_lhs_hint = false} : vector<256x198xbf16>, vector<1024x198xbf16>, vector<256x1024xf32> -> vector<256x1024xf32>
    %reduce_min3A_453 = arith.constant dense<0x7F800000> : vector<1024xf32>
    %reduce_min3A_454 = vector.multi_reduction <minimumf>, %dot_general3A_413, %reduce_min3A_453 [0] : vector<256x1024xf32> to vector<1024xf32>
    %broadcast_in_dim3A_455 = vector.shape_cast %reduce_min3A_454 : vector<1024xf32> to vector<1x1024xf32>
    %eq3A_456 = vector.broadcast %broadcast_in_dim3A_455 : vector<1x1024xf32> to vector<256x1024xf32>
    %eq3A_457 = arith.cmpf oeq, %dot_general3A_413, %eq3A_456 : vector<256x1024xf32>
    %jit3A_458 = arith.constant 1073741824 : i32
    %broadcast_in_dim3A_459 = vector.broadcast %jit3A_458 : i32 to vector<256x1024xi32>
    %select_n3A_460 = arith.select %eq3A_457, %iota3A, %broadcast_in_dim3A_459 : vector<256x1024xi1>, vector<256x1024xi32>
    %reduce_min3A_461 = arith.constant dense<2147483647> : vector<1024xi32>
    %reduce_min3A_462 = vector.multi_reduction <minsi>, %select_n3A_460, %reduce_min3A_461 [0] : vector<256x1024xi32> to vector<1024xi32>
    %broadcast_in_dim3A_463 = vector.shape_cast %reduce_min3A_462 : vector<1024xi32> to vector<1x1024xi32>
    %mul3A_464 = arith.constant 8192 : i32
    %mul3A_465 = arith.muli %arg0, %mul3A_464 : i32
    %add3A_466 = vector.broadcast %mul3A_465 : i32 to vector<1x1024xi32>
    %add3A_467 = arith.addi %broadcast_in_dim3A_463, %add3A_466 : vector<1x1024xi32>
    %add3A_468 = arith.constant 2816 : i32
    %add3A_469 = vector.broadcast %add3A_468 : i32 to vector<1x1024xi32>
    %add3A_470 = arith.addi %add3A_467, %add3A_469 : vector<1x1024xi32>
    %get3A_471 = arith.constant 0 : index
    %get3A_472 = arith.constant 0 : index
    %get3A_473 = vector.load %arg8[%get3A_471, %get3A_472] : memref<1x1024xf32, #tpu.memory_space<vmem>>, vector<1x1024xf32>
    %lt3A_474 = arith.cmpf olt, %broadcast_in_dim3A_455, %get3A_473 : vector<1x1024xf32>
    %get3A_475 = arith.constant 0 : index
    %get3A_476 = arith.constant 0 : index
    %get3A_477 = vector.load %arg9[%get3A_475, %get3A_476] : memref<1x1024xi32, #tpu.memory_space<vmem>>, vector<1x1024xi32>
    %select_n3A_478 = arith.select %lt3A_474, %add3A_470, %get3A_477 : vector<1x1024xi1>, vector<1x1024xi32>
    %swap3A_479 = arith.constant 0 : index
    %swap3A_480 = arith.constant 0 : index
    %swap3A_481 = vector.load %arg9[%swap3A_479, %swap3A_480] : memref<1x1024xi32, #tpu.memory_space<vmem>>, vector<1x1024xi32>
    tpu.vector_store %arg9[%swap3A_479, %swap3A_480], %select_n3A_478 {strides = array<i32>} : memref<1x1024xi32, #tpu.memory_space<vmem>>, vector<1x1024xi32>,
    %get3A_482 = arith.constant 0 : index
    %get3A_483 = arith.constant 0 : index
    %get3A_484 = vector.load %arg8[%get3A_482, %get3A_483] : memref<1x1024xf32, #tpu.memory_space<vmem>>, vector<1x1024xf32>
    %select_n3A_485 = arith.select %lt3A_474, %broadcast_in_dim3A_455, %get3A_484 : vector<1x1024xi1>, vector<1x1024xf32>
    %swap3A_486 = arith.constant 0 : index
    %swap3A_487 = arith.constant 0 : index
    %swap3A_488 = vector.load %arg8[%swap3A_486, %swap3A_487] : memref<1x1024xf32, #tpu.memory_space<vmem>>, vector<1x1024xf32>
    tpu.vector_store %arg8[%swap3A_486, %swap3A_487], %select_n3A_485 {strides = array<i32>} : memref<1x1024xf32, #tpu.memory_space<vmem>>, vector<1x1024xf32>,
    %slice3A_489 = vector.extract_strided_slice %concatenate3A_21 {offsets = [3328, 0], sizes = [256, 198], strides = [1, 1]} : vector<8192x198xbf16> to vector<256x198xbf16>
    %dot_general3A_490 = arith.constant dense<0.000000e+00> : vector<256x1024xf32>
    %dot_general3A_491 = tpu.matmul %slice3A_489, %get3A_24, %dot_general3A_490 {dimension_numbers = #tpu.dot_dimension_numbers<[1], [1], [0], [0], [0, 0, 1, 0], [], []>, transpose_lhs_hint = false} : vector<256x198xbf16>, vector<1024x198xbf16>, vector<256x1024xf32> -> vector<256x1024xf32>
    %reduce_min3A_492 = arith.constant dense<0x7F800000> : vector<1024xf32>
    %reduce_min3A_493 = vector.multi_reduction <minimumf>, %dot_general3A_452, %reduce_min3A_492 [0] : vector<256x1024xf32> to vector<1024xf32>
    %broadcast_in_dim3A_494 = vector.shape_cast %reduce_min3A_493 : vector<1024xf32> to vector<1x1024xf32>
    %eq3A_495 = vector.broadcast %broadcast_in_dim3A_494 : vector<1x1024xf32> to vector<256x1024xf32>
    %eq3A_496 = arith.cmpf oeq, %dot_general3A_452, %eq3A_495 : vector<256x1024xf32>
    %jit3A_497 = arith.constant 1073741824 : i32
    %broadcast_in_dim3A_498 = vector.broadcast %jit3A_497 : i32 to vector<256x1024xi32>
    %select_n3A_499 = arith.select %eq3A_496, %iota3A, %broadcast_in_dim3A_498 : vector<256x1024xi1>, vector<256x1024xi32>
    %reduce_min3A_500 = arith.constant dense<2147483647> : vector<1024xi32>
    %reduce_min3A_501 = vector.multi_reduction <minsi>, %select_n3A_499, %reduce_min3A_500 [0] : vector<256x1024xi32> to vector<1024xi32>
    %broadcast_in_dim3A_502 = vector.shape_cast %reduce_min3A_501 : vector<1024xi32> to vector<1x1024xi32>
    %mul3A_503 = arith.constant 8192 : i32
    %mul3A_504 = arith.muli %arg0, %mul3A_503 : i32
    %add3A_505 = vector.broadcast %mul3A_504 : i32 to vector<1x1024xi32>
    %add3A_506 = arith.addi %broadcast_in_dim3A_502, %add3A_505 : vector<1x1024xi32>
    %add3A_507 = arith.constant 3072 : i32
    %add3A_508 = vector.broadcast %add3A_507 : i32 to vector<1x1024xi32>
    %add3A_509 = arith.addi %add3A_506, %add3A_508 : vector<1x1024xi32>
    %get3A_510 = arith.constant 0 : index
    %get3A_511 = arith.constant 0 : index
    %get3A_512 = vector.load %arg8[%get3A_510, %get3A_511] : memref<1x1024xf32, #tpu.memory_space<vmem>>, vector<1x1024xf32>
    %lt3A_513 = arith.cmpf olt, %broadcast_in_dim3A_494, %get3A_512 : vector<1x1024xf32>
    %get3A_514 = arith.constant 0 : index
    %get3A_515 = arith.constant 0 : index
    %get3A_516 = vector.load %arg9[%get3A_514, %get3A_515] : memref<1x1024xi32, #tpu.memory_space<vmem>>, vector<1x1024xi32>
    %select_n3A_517 = arith.select %lt3A_513, %add3A_509, %get3A_516 : vector<1x1024xi1>, vector<1x1024xi32>
    %swap3A_518 = arith.constant 0 : index
    %swap3A_519 = arith.constant 0 : index
    %swap3A_520 = vector.load %arg9[%swap3A_518, %swap3A_519] : memref<1x1024xi32, #tpu.memory_space<vmem>>, vector<1x1024xi32>
    tpu.vector_store %arg9[%swap3A_518, %swap3A_519], %select_n3A_517 {strides = array<i32>} : memref<1x1024xi32, #tpu.memory_space<vmem>>, vector<1x1024xi32>,
    %get3A_521 = arith.constant 0 : index
    %get3A_522 = arith.constant 0 : index
    %get3A_523 = vector.load %arg8[%get3A_521, %get3A_522] : memref<1x1024xf32, #tpu.memory_space<vmem>>, vector<1x1024xf32>
    %select_n3A_524 = arith.select %lt3A_513, %broadcast_in_dim3A_494, %get3A_523 : vector<1x1024xi1>, vector<1x1024xf32>
    %swap3A_525 = arith.constant 0 : index
    %swap3A_526 = arith.constant 0 : index
    %swap3A_527 = vector.load %arg8[%swap3A_525, %swap3A_526] : memref<1x1024xf32, #tpu.memory_space<vmem>>, vector<1x1024xf32>
    tpu.vector_store %arg8[%swap3A_525, %swap3A_526], %select_n3A_524 {strides = array<i32>} : memref<1x1024xf32, #tpu.memory_space<vmem>>, vector<1x1024xf32>,
    %slice3A_528 = vector.extract_strided_slice %concatenate3A_21 {offsets = [3584, 0], sizes = [256, 198], strides = [1, 1]} : vector<8192x198xbf16> to vector<256x198xbf16>
    %dot_general3A_529 = arith.constant dense<0.000000e+00> : vector<256x1024xf32>
    %dot_general3A_530 = tpu.matmul %slice3A_528, %get3A_24, %dot_general3A_529 {dimension_numbers = #tpu.dot_dimension_numbers<[1], [1], [0], [0], [0, 0, 1, 0], [], []>, transpose_lhs_hint = false} : vector<256x198xbf16>, vector<1024x198xbf16>, vector<256x1024xf32> -> vector<256x1024xf32>
    %reduce_min3A_531 = arith.constant dense<0x7F800000> : vector<1024xf32>
    %reduce_min3A_532 = vector.multi_reduction <minimumf>, %dot_general3A_491, %reduce_min3A_531 [0] : vector<256x1024xf32> to vector<1024xf32>
    %broadcast_in_dim3A_533 = vector.shape_cast %reduce_min3A_532 : vector<1024xf32> to vector<1x1024xf32>
    %eq3A_534 = vector.broadcast %broadcast_in_dim3A_533 : vector<1x1024xf32> to vector<256x1024xf32>
    %eq3A_535 = arith.cmpf oeq, %dot_general3A_491, %eq3A_534 : vector<256x1024xf32>
    %jit3A_536 = arith.constant 1073741824 : i32
    %broadcast_in_dim3A_537 = vector.broadcast %jit3A_536 : i32 to vector<256x1024xi32>
    %select_n3A_538 = arith.select %eq3A_535, %iota3A, %broadcast_in_dim3A_537 : vector<256x1024xi1>, vector<256x1024xi32>
    %reduce_min3A_539 = arith.constant dense<2147483647> : vector<1024xi32>
    %reduce_min3A_540 = vector.multi_reduction <minsi>, %select_n3A_538, %reduce_min3A_539 [0] : vector<256x1024xi32> to vector<1024xi32>
    %broadcast_in_dim3A_541 = vector.shape_cast %reduce_min3A_540 : vector<1024xi32> to vector<1x1024xi32>
    %mul3A_542 = arith.constant 8192 : i32
    %mul3A_543 = arith.muli %arg0, %mul3A_542 : i32
    %add3A_544 = vector.broadcast %mul3A_543 : i32 to vector<1x1024xi32>
    %add3A_545 = arith.addi %broadcast_in_dim3A_541, %add3A_544 : vector<1x1024xi32>
    %add3A_546 = arith.constant 3328 : i32
    %add3A_547 = vector.broadcast %add3A_546 : i32 to vector<1x1024xi32>
    %add3A_548 = arith.addi %add3A_545, %add3A_547 : vector<1x1024xi32>
    %get3A_549 = arith.constant 0 : index
    %get3A_550 = arith.constant 0 : index
    %get3A_551 = vector.load %arg8[%get3A_549, %get3A_550] : memref<1x1024xf32, #tpu.memory_space<vmem>>, vector<1x1024xf32>
    %lt3A_552 = arith.cmpf olt, %broadcast_in_dim3A_533, %get3A_551 : vector<1x1024xf32>
    %get3A_553 = arith.constant 0 : index
    %get3A_554 = arith.constant 0 : index
    %get3A_555 = vector.load %arg9[%get3A_553, %get3A_554] : memref<1x1024xi32, #tpu.memory_space<vmem>>, vector<1x1024xi32>
    %select_n3A_556 = arith.select %lt3A_552, %add3A_548, %get3A_555 : vector<1x1024xi1>, vector<1x1024xi32>
    %swap3A_557 = arith.constant 0 : index
    %swap3A_558 = arith.constant 0 : index
    %swap3A_559 = vector.load %arg9[%swap3A_557, %swap3A_558] : memref<1x1024xi32, #tpu.memory_space<vmem>>, vector<1x1024xi32>
    tpu.vector_store %arg9[%swap3A_557, %swap3A_558], %select_n3A_556 {strides = array<i32>} : memref<1x1024xi32, #tpu.memory_space<vmem>>, vector<1x1024xi32>,
    %get3A_560 = arith.constant 0 : index
    %get3A_561 = arith.constant 0 : index
    %get3A_562 = vector.load %arg8[%get3A_560, %get3A_561] : memref<1x1024xf32, #tpu.memory_space<vmem>>, vector<1x1024xf32>
    %select_n3A_563 = arith.select %lt3A_552, %broadcast_in_dim3A_533, %get3A_562 : vector<1x1024xi1>, vector<1x1024xf32>
    %swap3A_564 = arith.constant 0 : index
    %swap3A_565 = arith.constant 0 : index
    %swap3A_566 = vector.load %arg8[%swap3A_564, %swap3A_565] : memref<1x1024xf32, #tpu.memory_space<vmem>>, vector<1x1024xf32>
    tpu.vector_store %arg8[%swap3A_564, %swap3A_565], %select_n3A_563 {strides = array<i32>} : memref<1x1024xf32, #tpu.memory_space<vmem>>, vector<1x1024xf32>,
    %slice3A_567 = vector.extract_strided_slice %concatenate3A_21 {offsets = [3840, 0], sizes = [256, 198], strides = [1, 1]} : vector<8192x198xbf16> to vector<256x198xbf16>
    %dot_general3A_568 = arith.constant dense<0.000000e+00> : vector<256x1024xf32>
    %dot_general3A_569 = tpu.matmul %slice3A_567, %get3A_24, %dot_general3A_568 {dimension_numbers = #tpu.dot_dimension_numbers<[1], [1], [0], [0], [0, 0, 1, 0], [], []>, transpose_lhs_hint = false} : vector<256x198xbf16>, vector<1024x198xbf16>, vector<256x1024xf32> -> vector<256x1024xf32>
    %reduce_min3A_570 = arith.constant dense<0x7F800000> : vector<1024xf32>
    %reduce_min3A_571 = vector.multi_reduction <minimumf>, %dot_general3A_530, %reduce_min3A_570 [0] : vector<256x1024xf32> to vector<1024xf32>
    %broadcast_in_dim3A_572 = vector.shape_cast %reduce_min3A_571 : vector<1024xf32> to vector<1x1024xf32>
    %eq3A_573 = vector.broadcast %broadcast_in_dim3A_572 : vector<1x1024xf32> to vector<256x1024xf32>
    %eq3A_574 = arith.cmpf oeq, %dot_general3A_530, %eq3A_573 : vector<256x1024xf32>
    %jit3A_575 = arith.constant 1073741824 : i32
    %broadcast_in_dim3A_576 = vector.broadcast %jit3A_575 : i32 to vector<256x1024xi32>
    %select_n3A_577 = arith.select %eq3A_574, %iota3A, %broadcast_in_dim3A_576 : vector<256x1024xi1>, vector<256x1024xi32>
    %reduce_min3A_578 = arith.constant dense<2147483647> : vector<1024xi32>
    %reduce_min3A_579 = vector.multi_reduction <minsi>, %select_n3A_577, %reduce_min3A_578 [0] : vector<256x1024xi32> to vector<1024xi32>
    %broadcast_in_dim3A_580 = vector.shape_cast %reduce_min3A_579 : vector<1024xi32> to vector<1x1024xi32>
    %mul3A_581 = arith.constant 8192 : i32
    %mul3A_582 = arith.muli %arg0, %mul3A_581 : i32
    %add3A_583 = vector.broadcast %mul3A_582 : i32 to vector<1x1024xi32>
    %add3A_584 = arith.addi %broadcast_in_dim3A_580, %add3A_583 : vector<1x1024xi32>
    %add3A_585 = arith.constant 3584 : i32
    %add3A_586 = vector.broadcast %add3A_585 : i32 to vector<1x1024xi32>
    %add3A_587 = arith.addi %add3A_584, %add3A_586 : vector<1x1024xi32>
    %get3A_588 = arith.constant 0 : index
    %get3A_589 = arith.constant 0 : index
    %get3A_590 = vector.load %arg8[%get3A_588, %get3A_589] : memref<1x1024xf32, #tpu.memory_space<vmem>>, vector<1x1024xf32>
    %lt3A_591 = arith.cmpf olt, %broadcast_in_dim3A_572, %get3A_590 : vector<1x1024xf32>
    %get3A_592 = arith.constant 0 : index
    %get3A_593 = arith.constant 0 : index
    %get3A_594 = vector.load %arg9[%get3A_592, %get3A_593] : memref<1x1024xi32, #tpu.memory_space<vmem>>, vector<1x1024xi32>
    %select_n3A_595 = arith.select %lt3A_591, %add3A_587, %get3A_594 : vector<1x1024xi1>, vector<1x1024xi32>
    %swap3A_596 = arith.constant 0 : index
    %swap3A_597 = arith.constant 0 : index
    %swap3A_598 = vector.load %arg9[%swap3A_596, %swap3A_597] : memref<1x1024xi32, #tpu.memory_space<vmem>>, vector<1x1024xi32>
    tpu.vector_store %arg9[%swap3A_596, %swap3A_597], %select_n3A_595 {strides = array<i32>} : memref<1x1024xi32, #tpu.memory_space<vmem>>, vector<1x1024xi32>,
    %get3A_599 = arith.constant 0 : index
    %get3A_600 = arith.constant 0 : index
    %get3A_601 = vector.load %arg8[%get3A_599, %get3A_600] : memref<1x1024xf32, #tpu.memory_space<vmem>>, vector<1x1024xf32>
    %select_n3A_602 = arith.select %lt3A_591, %broadcast_in_dim3A_572, %get3A_601 : vector<1x1024xi1>, vector<1x1024xf32>
    %swap3A_603 = arith.constant 0 : index
    %swap3A_604 = arith.constant 0 : index
    %swap3A_605 = vector.load %arg8[%swap3A_603, %swap3A_604] : memref<1x1024xf32, #tpu.memory_space<vmem>>, vector<1x1024xf32>
    tpu.vector_store %arg8[%swap3A_603, %swap3A_604], %select_n3A_602 {strides = array<i32>} : memref<1x1024xf32, #tpu.memory_space<vmem>>, vector<1x1024xf32>,
    %slice3A_606 = vector.extract_strided_slice %concatenate3A_21 {offsets = [4096, 0], sizes = [256, 198], strides = [1, 1]} : vector<8192x198xbf16> to vector<256x198xbf16>
    %dot_general3A_607 = arith.constant dense<0.000000e+00> : vector<256x1024xf32>
    %dot_general3A_608 = tpu.matmul %slice3A_606, %get3A_24, %dot_general3A_607 {dimension_numbers = #tpu.dot_dimension_numbers<[1], [1], [0], [0], [0, 0, 1, 0], [], []>, transpose_lhs_hint = false} : vector<256x198xbf16>, vector<1024x198xbf16>, vector<256x1024xf32> -> vector<256x1024xf32>
    %reduce_min3A_609 = arith.constant dense<0x7F800000> : vector<1024xf32>
    %reduce_min3A_610 = vector.multi_reduction <minimumf>, %dot_general3A_569, %reduce_min3A_609 [0] : vector<256x1024xf32> to vector<1024xf32>
    %broadcast_in_dim3A_611 = vector.shape_cast %reduce_min3A_610 : vector<1024xf32> to vector<1x1024xf32>
    %eq3A_612 = vector.broadcast %broadcast_in_dim3A_611 : vector<1x1024xf32> to vector<256x1024xf32>
    %eq3A_613 = arith.cmpf oeq, %dot_general3A_569, %eq3A_612 : vector<256x1024xf32>
    %jit3A_614 = arith.constant 1073741824 : i32
    %broadcast_in_dim3A_615 = vector.broadcast %jit3A_614 : i32 to vector<256x1024xi32>
    %select_n3A_616 = arith.select %eq3A_613, %iota3A, %broadcast_in_dim3A_615 : vector<256x1024xi1>, vector<256x1024xi32>
    %reduce_min3A_617 = arith.constant dense<2147483647> : vector<1024xi32>
    %reduce_min3A_618 = vector.multi_reduction <minsi>, %select_n3A_616, %reduce_min3A_617 [0] : vector<256x1024xi32> to vector<1024xi32>
    %broadcast_in_dim3A_619 = vector.shape_cast %reduce_min3A_618 : vector<1024xi32> to vector<1x1024xi32>
    %mul3A_620 = arith.constant 8192 : i32
    %mul3A_621 = arith.muli %arg0, %mul3A_620 : i32
    %add3A_622 = vector.broadcast %mul3A_621 : i32 to vector<1x1024xi32>
    %add3A_623 = arith.addi %broadcast_in_dim3A_619, %add3A_622 : vector<1x1024xi32>
    %add3A_624 = arith.constant 3840 : i32
    %add3A_625 = vector.broadcast %add3A_624 : i32 to vector<1x1024xi32>
    %add3A_626 = arith.addi %add3A_623, %add3A_625 : vector<1x1024xi32>
    %get3A_627 = arith.constant 0 : index
    %get3A_628 = arith.constant 0 : index
    %get3A_629 = vector.load %arg8[%get3A_627, %get3A_628] : memref<1x1024xf32, #tpu.memory_space<vmem>>, vector<1x1024xf32>
    %lt3A_630 = arith.cmpf olt, %broadcast_in_dim3A_611, %get3A_629 : vector<1x1024xf32>
    %get3A_631 = arith.constant 0 : index
    %get3A_632 = arith.constant 0 : index
    %get3A_633 = vector.load %arg9[%get3A_631, %get3A_632] : memref<1x1024xi32, #tpu.memory_space<vmem>>, vector<1x1024xi32>
    %select_n3A_634 = arith.select %lt3A_630, %add3A_626, %get3A_633 : vector<1x1024xi1>, vector<1x1024xi32>
    %swap3A_635 = arith.constant 0 : index
    %swap3A_636 = arith.constant 0 : index
    %swap3A_637 = vector.load %arg9[%swap3A_635, %swap3A_636] : memref<1x1024xi32, #tpu.memory_space<vmem>>, vector<1x1024xi32>
    tpu.vector_store %arg9[%swap3A_635, %swap3A_636], %select_n3A_634 {strides = array<i32>} : memref<1x1024xi32, #tpu.memory_space<vmem>>, vector<1x1024xi32>,
    %get3A_638 = arith.constant 0 : index
    %get3A_639 = arith.constant 0 : index
    %get3A_640 = vector.load %arg8[%get3A_638, %get3A_639] : memref<1x1024xf32, #tpu.memory_space<vmem>>, vector<1x1024xf32>
    %select_n3A_641 = arith.select %lt3A_630, %broadcast_in_dim3A_611, %get3A_640 : vector<1x1024xi1>, vector<1x1024xf32>
    %swap3A_642 = arith.constant 0 : index
    %swap3A_643 = arith.constant 0 : index
    %swap3A_644 = vector.load %arg8[%swap3A_642, %swap3A_643] : memref<1x1024xf32, #tpu.memory_space<vmem>>, vector<1x1024xf32>
    tpu.vector_store %arg8[%swap3A_642, %swap3A_643], %select_n3A_641 {strides = array<i32>} : memref<1x1024xf32, #tpu.memory_space<vmem>>, vector<1x1024xf32>,
    %slice3A_645 = vector.extract_strided_slice %concatenate3A_21 {offsets = [4352, 0], sizes = [256, 198], strides = [1, 1]} : vector<8192x198xbf16> to vector<256x198xbf16>
    %dot_general3A_646 = arith.constant dense<0.000000e+00> : vector<256x1024xf32>
    %dot_general3A_647 = tpu.matmul %slice3A_645, %get3A_24, %dot_general3A_646 {dimension_numbers = #tpu.dot_dimension_numbers<[1], [1], [0], [0], [0, 0, 1, 0], [], []>, transpose_lhs_hint = false} : vector<256x198xbf16>, vector<1024x198xbf16>, vector<256x1024xf32> -> vector<256x1024xf32>
    %reduce_min3A_648 = arith.constant dense<0x7F800000> : vector<1024xf32>
    %reduce_min3A_649 = vector.multi_reduction <minimumf>, %dot_general3A_608, %reduce_min3A_648 [0] : vector<256x1024xf32> to vector<1024xf32>
    %broadcast_in_dim3A_650 = vector.shape_cast %reduce_min3A_649 : vector<1024xf32> to vector<1x1024xf32>
    %eq3A_651 = vector.broadcast %broadcast_in_dim3A_650 : vector<1x1024xf32> to vector<256x1024xf32>
    %eq3A_652 = arith.cmpf oeq, %dot_general3A_608, %eq3A_651 : vector<256x1024xf32>
    %jit3A_653 = arith.constant 1073741824 : i32
    %broadcast_in_dim3A_654 = vector.broadcast %jit3A_653 : i32 to vector<256x1024xi32>
    %select_n3A_655 = arith.select %eq3A_652, %iota3A, %broadcast_in_dim3A_654 : vector<256x1024xi1>, vector<256x1024xi32>
    %reduce_min3A_656 = arith.constant dense<2147483647> : vector<1024xi32>
    %reduce_min3A_657 = vector.multi_reduction <minsi>, %select_n3A_655, %reduce_min3A_656 [0] : vector<256x1024xi32> to vector<1024xi32>
    %broadcast_in_dim3A_658 = vector.shape_cast %reduce_min3A_657 : vector<1024xi32> to vector<1x1024xi32>
    %mul3A_659 = arith.constant 8192 : i32
    %mul3A_660 = arith.muli %arg0, %mul3A_659 : i32
    %add3A_661 = vector.broadcast %mul3A_660 : i32 to vector<1x1024xi32>
    %add3A_662 = arith.addi %broadcast_in_dim3A_658, %add3A_661 : vector<1x1024xi32>
    %add3A_663 = arith.constant 4096 : i32
    %add3A_664 = vector.broadcast %add3A_663 : i32 to vector<1x1024xi32>
    %add3A_665 = arith.addi %add3A_662, %add3A_664 : vector<1x1024xi32>
    %get3A_666 = arith.constant 0 : index
    %get3A_667 = arith.constant 0 : index
    %get3A_668 = vector.load %arg8[%get3A_666, %get3A_667] : memref<1x1024xf32, #tpu.memory_space<vmem>>, vector<1x1024xf32>
    %lt3A_669 = arith.cmpf olt, %broadcast_in_dim3A_650, %get3A_668 : vector<1x1024xf32>
    %get3A_670 = arith.constant 0 : index
    %get3A_671 = arith.constant 0 : index
    %get3A_672 = vector.load %arg9[%get3A_670, %get3A_671] : memref<1x1024xi32, #tpu.memory_space<vmem>>, vector<1x1024xi32>
    %select_n3A_673 = arith.select %lt3A_669, %add3A_665, %get3A_672 : vector<1x1024xi1>, vector<1x1024xi32>
    %swap3A_674 = arith.constant 0 : index
    %swap3A_675 = arith.constant 0 : index
    %swap3A_676 = vector.load %arg9[%swap3A_674, %swap3A_675] : memref<1x1024xi32, #tpu.memory_space<vmem>>, vector<1x1024xi32>
    tpu.vector_store %arg9[%swap3A_674, %swap3A_675], %select_n3A_673 {strides = array<i32>} : memref<1x1024xi32, #tpu.memory_space<vmem>>, vector<1x1024xi32>,
    %get3A_677 = arith.constant 0 : index
    %get3A_678 = arith.constant 0 : index
    %get3A_679 = vector.load %arg8[%get3A_677, %get3A_678] : memref<1x1024xf32, #tpu.memory_space<vmem>>, vector<1x1024xf32>
    %select_n3A_680 = arith.select %lt3A_669, %broadcast_in_dim3A_650, %get3A_679 : vector<1x1024xi1>, vector<1x1024xf32>
    %swap3A_681 = arith.constant 0 : index
    %swap3A_682 = arith.constant 0 : index
    %swap3A_683 = vector.load %arg8[%swap3A_681, %swap3A_682] : memref<1x1024xf32, #tpu.memory_space<vmem>>, vector<1x1024xf32>
    tpu.vector_store %arg8[%swap3A_681, %swap3A_682], %select_n3A_680 {strides = array<i32>} : memref<1x1024xf32, #tpu.memory_space<vmem>>, vector<1x1024xf32>,
    %slice3A_684 = vector.extract_strided_slice %concatenate3A_21 {offsets = [4608, 0], sizes = [256, 198], strides = [1, 1]} : vector<8192x198xbf16> to vector<256x198xbf16>
    %dot_general3A_685 = arith.constant dense<0.000000e+00> : vector<256x1024xf32>
    %dot_general3A_686 = tpu.matmul %slice3A_684, %get3A_24, %dot_general3A_685 {dimension_numbers = #tpu.dot_dimension_numbers<[1], [1], [0], [0], [0, 0, 1, 0], [], []>, transpose_lhs_hint = false} : vector<256x198xbf16>, vector<1024x198xbf16>, vector<256x1024xf32> -> vector<256x1024xf32>
    %reduce_min3A_687 = arith.constant dense<0x7F800000> : vector<1024xf32>
    %reduce_min3A_688 = vector.multi_reduction <minimumf>, %dot_general3A_647, %reduce_min3A_687 [0] : vector<256x1024xf32> to vector<1024xf32>
    %broadcast_in_dim3A_689 = vector.shape_cast %reduce_min3A_688 : vector<1024xf32> to vector<1x1024xf32>
    %eq3A_690 = vector.broadcast %broadcast_in_dim3A_689 : vector<1x1024xf32> to vector<256x1024xf32>
    %eq3A_691 = arith.cmpf oeq, %dot_general3A_647, %eq3A_690 : vector<256x1024xf32>
    %jit3A_692 = arith.constant 1073741824 : i32
    %broadcast_in_dim3A_693 = vector.broadcast %jit3A_692 : i32 to vector<256x1024xi32>
    %select_n3A_694 = arith.select %eq3A_691, %iota3A, %broadcast_in_dim3A_693 : vector<256x1024xi1>, vector<256x1024xi32>
    %reduce_min3A_695 = arith.constant dense<2147483647> : vector<1024xi32>
    %reduce_min3A_696 = vector.multi_reduction <minsi>, %select_n3A_694, %reduce_min3A_695 [0] : vector<256x1024xi32> to vector<1024xi32>
    %broadcast_in_dim3A_697 = vector.shape_cast %reduce_min3A_696 : vector<1024xi32> to vector<1x1024xi32>
    %mul3A_698 = arith.constant 8192 : i32
    %mul3A_699 = arith.muli %arg0, %mul3A_698 : i32
    %add3A_700 = vector.broadcast %mul3A_699 : i32 to vector<1x1024xi32>
    %add3A_701 = arith.addi %broadcast_in_dim3A_697, %add3A_700 : vector<1x1024xi32>
    %add3A_702 = arith.constant 4352 : i32
    %add3A_703 = vector.broadcast %add3A_702 : i32 to vector<1x1024xi32>
    %add3A_704 = arith.addi %add3A_701, %add3A_703 : vector<1x1024xi32>
    %get3A_705 = arith.constant 0 : index
    %get3A_706 = arith.constant 0 : index
    %get3A_707 = vector.load %arg8[%get3A_705, %get3A_706] : memref<1x1024xf32, #tpu.memory_space<vmem>>, vector<1x1024xf32>
    %lt3A_708 = arith.cmpf olt, %broadcast_in_dim3A_689, %get3A_707 : vector<1x1024xf32>
    %get3A_709 = arith.constant 0 : index
    %get3A_710 = arith.constant 0 : index
    %get3A_711 = vector.load %arg9[%get3A_709, %get3A_710] : memref<1x1024xi32, #tpu.memory_space<vmem>>, vector<1x1024xi32>
    %select_n3A_712 = arith.select %lt3A_708, %add3A_704, %get3A_711 : vector<1x1024xi1>, vector<1x1024xi32>
    %swap3A_713 = arith.constant 0 : index
    %swap3A_714 = arith.constant 0 : index
    %swap3A_715 = vector.load %arg9[%swap3A_713, %swap3A_714] : memref<1x1024xi32, #tpu.memory_space<vmem>>, vector<1x1024xi32>
    tpu.vector_store %arg9[%swap3A_713, %swap3A_714], %select_n3A_712 {strides = array<i32>} : memref<1x1024xi32, #tpu.memory_space<vmem>>, vector<1x1024xi32>,
    %get3A_716 = arith.constant 0 : index
    %get3A_717 = arith.constant 0 : index
    %get3A_718 = vector.load %arg8[%get3A_716, %get3A_717] : memref<1x1024xf32, #tpu.memory_space<vmem>>, vector<1x1024xf32>
    %select_n3A_719 = arith.select %lt3A_708, %broadcast_in_dim3A_689, %get3A_718 : vector<1x1024xi1>, vector<1x1024xf32>
    %swap3A_720 = arith.constant 0 : index
    %swap3A_721 = arith.constant 0 : index
    %swap3A_722 = vector.load %arg8[%swap3A_720, %swap3A_721] : memref<1x1024xf32, #tpu.memory_space<vmem>>, vector<1x1024xf32>
    tpu.vector_store %arg8[%swap3A_720, %swap3A_721], %select_n3A_719 {strides = array<i32>} : memref<1x1024xf32, #tpu.memory_space<vmem>>, vector<1x1024xf32>,
    %slice3A_723 = vector.extract_strided_slice %concatenate3A_21 {offsets = [4864, 0], sizes = [256, 198], strides = [1, 1]} : vector<8192x198xbf16> to vector<256x198xbf16>
    %dot_general3A_724 = arith.constant dense<0.000000e+00> : vector<256x1024xf32>
    %dot_general3A_725 = tpu.matmul %slice3A_723, %get3A_24, %dot_general3A_724 {dimension_numbers = #tpu.dot_dimension_numbers<[1], [1], [0], [0], [0, 0, 1, 0], [], []>, transpose_lhs_hint = false} : vector<256x198xbf16>, vector<1024x198xbf16>, vector<256x1024xf32> -> vector<256x1024xf32>
    %reduce_min3A_726 = arith.constant dense<0x7F800000> : vector<1024xf32>
    %reduce_min3A_727 = vector.multi_reduction <minimumf>, %dot_general3A_686, %reduce_min3A_726 [0] : vector<256x1024xf32> to vector<1024xf32>
    %broadcast_in_dim3A_728 = vector.shape_cast %reduce_min3A_727 : vector<1024xf32> to vector<1x1024xf32>
    %eq3A_729 = vector.broadcast %broadcast_in_dim3A_728 : vector<1x1024xf32> to vector<256x1024xf32>
    %eq3A_730 = arith.cmpf oeq, %dot_general3A_686, %eq3A_729 : vector<256x1024xf32>
    %jit3A_731 = arith.constant 1073741824 : i32
    %broadcast_in_dim3A_732 = vector.broadcast %jit3A_731 : i32 to vector<256x1024xi32>
    %select_n3A_733 = arith.select %eq3A_730, %iota3A, %broadcast_in_dim3A_732 : vector<256x1024xi1>, vector<256x1024xi32>
    %reduce_min3A_734 = arith.constant dense<2147483647> : vector<1024xi32>
    %reduce_min3A_735 = vector.multi_reduction <minsi>, %select_n3A_733, %reduce_min3A_734 [0] : vector<256x1024xi32> to vector<1024xi32>
    %broadcast_in_dim3A_736 = vector.shape_cast %reduce_min3A_735 : vector<1024xi32> to vector<1x1024xi32>
    %mul3A_737 = arith.constant 8192 : i32
    %mul3A_738 = arith.muli %arg0, %mul3A_737 : i32
    %add3A_739 = vector.broadcast %mul3A_738 : i32 to vector<1x1024xi32>
    %add3A_740 = arith.addi %broadcast_in_dim3A_736, %add3A_739 : vector<1x1024xi32>
    %add3A_741 = arith.constant 4608 : i32
    %add3A_742 = vector.broadcast %add3A_741 : i32 to vector<1x1024xi32>
    %add3A_743 = arith.addi %add3A_740, %add3A_742 : vector<1x1024xi32>
    %get3A_744 = arith.constant 0 : index
    %get3A_745 = arith.constant 0 : index
    %get3A_746 = vector.load %arg8[%get3A_744, %get3A_745] : memref<1x1024xf32, #tpu.memory_space<vmem>>, vector<1x1024xf32>
    %lt3A_747 = arith.cmpf olt, %broadcast_in_dim3A_728, %get3A_746 : vector<1x1024xf32>
    %get3A_748 = arith.constant 0 : index
    %get3A_749 = arith.constant 0 : index
    %get3A_750 = vector.load %arg9[%get3A_748, %get3A_749] : memref<1x1024xi32, #tpu.memory_space<vmem>>, vector<1x1024xi32>
    %select_n3A_751 = arith.select %lt3A_747, %add3A_743, %get3A_750 : vector<1x1024xi1>, vector<1x1024xi32>
    %swap3A_752 = arith.constant 0 : index
    %swap3A_753 = arith.constant 0 : index
    %swap3A_754 = vector.load %arg9[%swap3A_752, %swap3A_753] : memref<1x1024xi32, #tpu.memory_space<vmem>>, vector<1x1024xi32>
    tpu.vector_store %arg9[%swap3A_752, %swap3A_753], %select_n3A_751 {strides = array<i32>} : memref<1x1024xi32, #tpu.memory_space<vmem>>, vector<1x1024xi32>,
    %get3A_755 = arith.constant 0 : index
    %get3A_756 = arith.constant 0 : index
    %get3A_757 = vector.load %arg8[%get3A_755, %get3A_756] : memref<1x1024xf32, #tpu.memory_space<vmem>>, vector<1x1024xf32>
    %select_n3A_758 = arith.select %lt3A_747, %broadcast_in_dim3A_728, %get3A_757 : vector<1x1024xi1>, vector<1x1024xf32>
    %swap3A_759 = arith.constant 0 : index
    %swap3A_760 = arith.constant 0 : index
    %swap3A_761 = vector.load %arg8[%swap3A_759, %swap3A_760] : memref<1x1024xf32, #tpu.memory_space<vmem>>, vector<1x1024xf32>
    tpu.vector_store %arg8[%swap3A_759, %swap3A_760], %select_n3A_758 {strides = array<i32>} : memref<1x1024xf32, #tpu.memory_space<vmem>>, vector<1x1024xf32>,
    %slice3A_762 = vector.extract_strided_slice %concatenate3A_21 {offsets = [5120, 0], sizes = [256, 198], strides = [1, 1]} : vector<8192x198xbf16> to vector<256x198xbf16>
    %dot_general3A_763 = arith.constant dense<0.000000e+00> : vector<256x1024xf32>
    %dot_general3A_764 = tpu.matmul %slice3A_762, %get3A_24, %dot_general3A_763 {dimension_numbers = #tpu.dot_dimension_numbers<[1], [1], [0], [0], [0, 0, 1, 0], [], []>, transpose_lhs_hint = false} : vector<256x198xbf16>, vector<1024x198xbf16>, vector<256x1024xf32> -> vector<256x1024xf32>
    %reduce_min3A_765 = arith.constant dense<0x7F800000> : vector<1024xf32>
    %reduce_min3A_766 = vector.multi_reduction <minimumf>, %dot_general3A_725, %reduce_min3A_765 [0] : vector<256x1024xf32> to vector<1024xf32>
    %broadcast_in_dim3A_767 = vector.shape_cast %reduce_min3A_766 : vector<1024xf32> to vector<1x1024xf32>
    %eq3A_768 = vector.broadcast %broadcast_in_dim3A_767 : vector<1x1024xf32> to vector<256x1024xf32>
    %eq3A_769 = arith.cmpf oeq, %dot_general3A_725, %eq3A_768 : vector<256x1024xf32>
    %jit3A_770 = arith.constant 1073741824 : i32
    %broadcast_in_dim3A_771 = vector.broadcast %jit3A_770 : i32 to vector<256x1024xi32>
    %select_n3A_772 = arith.select %eq3A_769, %iota3A, %broadcast_in_dim3A_771 : vector<256x1024xi1>, vector<256x1024xi32>
    %reduce_min3A_773 = arith.constant dense<2147483647> : vector<1024xi32>
    %reduce_min3A_774 = vector.multi_reduction <minsi>, %select_n3A_772, %reduce_min3A_773 [0] : vector<256x1024xi32> to vector<1024xi32>
    %broadcast_in_dim3A_775 = vector.shape_cast %reduce_min3A_774 : vector<1024xi32> to vector<1x1024xi32>
    %mul3A_776 = arith.constant 8192 : i32
    %mul3A_777 = arith.muli %arg0, %mul3A_776 : i32
    %add3A_778 = vector.broadcast %mul3A_777 : i32 to vector<1x1024xi32>
    %add3A_779 = arith.addi %broadcast_in_dim3A_775, %add3A_778 : vector<1x1024xi32>
    %add3A_780 = arith.constant 4864 : i32
    %add3A_781 = vector.broadcast %add3A_780 : i32 to vector<1x1024xi32>
    %add3A_782 = arith.addi %add3A_779, %add3A_781 : vector<1x1024xi32>
    %get3A_783 = arith.constant 0 : index
    %get3A_784 = arith.constant 0 : index
    %get3A_785 = vector.load %arg8[%get3A_783, %get3A_784] : memref<1x1024xf32, #tpu.memory_space<vmem>>, vector<1x1024xf32>
    %lt3A_786 = arith.cmpf olt, %broadcast_in_dim3A_767, %get3A_785 : vector<1x1024xf32>
    %get3A_787 = arith.constant 0 : index
    %get3A_788 = arith.constant 0 : index
    %get3A_789 = vector.load %arg9[%get3A_787, %get3A_788] : memref<1x1024xi32, #tpu.memory_space<vmem>>, vector<1x1024xi32>
    %select_n3A_790 = arith.select %lt3A_786, %add3A_782, %get3A_789 : vector<1x1024xi1>, vector<1x1024xi32>
    %swap3A_791 = arith.constant 0 : index
    %swap3A_792 = arith.constant 0 : index
    %swap3A_793 = vector.load %arg9[%swap3A_791, %swap3A_792] : memref<1x1024xi32, #tpu.memory_space<vmem>>, vector<1x1024xi32>
    tpu.vector_store %arg9[%swap3A_791, %swap3A_792], %select_n3A_790 {strides = array<i32>} : memref<1x1024xi32, #tpu.memory_space<vmem>>, vector<1x1024xi32>,
    %get3A_794 = arith.constant 0 : index
    %get3A_795 = arith.constant 0 : index
    %get3A_796 = vector.load %arg8[%get3A_794, %get3A_795] : memref<1x1024xf32, #tpu.memory_space<vmem>>, vector<1x1024xf32>
    %select_n3A_797 = arith.select %lt3A_786, %broadcast_in_dim3A_767, %get3A_796 : vector<1x1024xi1>, vector<1x1024xf32>
    %swap3A_798 = arith.constant 0 : index
    %swap3A_799 = arith.constant 0 : index
    %swap3A_800 = vector.load %arg8[%swap3A_798, %swap3A_799] : memref<1x1024xf32, #tpu.memory_space<vmem>>, vector<1x1024xf32>
    tpu.vector_store %arg8[%swap3A_798, %swap3A_799], %select_n3A_797 {strides = array<i32>} : memref<1x1024xf32, #tpu.memory_space<vmem>>, vector<1x1024xf32>,
    %slice3A_801 = vector.extract_strided_slice %concatenate3A_21 {offsets = [5376, 0], sizes = [256, 198], strides = [1, 1]} : vector<8192x198xbf16> to vector<256x198xbf16>
    %dot_general3A_802 = arith.constant dense<0.000000e+00> : vector<256x1024xf32>
    %dot_general3A_803 = tpu.matmul %slice3A_801, %get3A_24, %dot_general3A_802 {dimension_numbers = #tpu.dot_dimension_numbers<[1], [1], [0], [0], [0, 0, 1, 0], [], []>, transpose_lhs_hint = false} : vector<256x198xbf16>, vector<1024x198xbf16>, vector<256x1024xf32> -> vector<256x1024xf32>
    %reduce_min3A_804 = arith.constant dense<0x7F800000> : vector<1024xf32>
    %reduce_min3A_805 = vector.multi_reduction <minimumf>, %dot_general3A_764, %reduce_min3A_804 [0] : vector<256x1024xf32> to vector<1024xf32>
    %broadcast_in_dim3A_806 = vector.shape_cast %reduce_min3A_805 : vector<1024xf32> to vector<1x1024xf32>
    %eq3A_807 = vector.broadcast %broadcast_in_dim3A_806 : vector<1x1024xf32> to vector<256x1024xf32>
    %eq3A_808 = arith.cmpf oeq, %dot_general3A_764, %eq3A_807 : vector<256x1024xf32>
    %jit3A_809 = arith.constant 1073741824 : i32
    %broadcast_in_dim3A_810 = vector.broadcast %jit3A_809 : i32 to vector<256x1024xi32>
    %select_n3A_811 = arith.select %eq3A_808, %iota3A, %broadcast_in_dim3A_810 : vector<256x1024xi1>, vector<256x1024xi32>
    %reduce_min3A_812 = arith.constant dense<2147483647> : vector<1024xi32>
    %reduce_min3A_813 = vector.multi_reduction <minsi>, %select_n3A_811, %reduce_min3A_812 [0] : vector<256x1024xi32> to vector<1024xi32>
    %broadcast_in_dim3A_814 = vector.shape_cast %reduce_min3A_813 : vector<1024xi32> to vector<1x1024xi32>
    %mul3A_815 = arith.constant 8192 : i32
    %mul3A_816 = arith.muli %arg0, %mul3A_815 : i32
    %add3A_817 = vector.broadcast %mul3A_816 : i32 to vector<1x1024xi32>
    %add3A_818 = arith.addi %broadcast_in_dim3A_814, %add3A_817 : vector<1x1024xi32>
    %add3A_819 = arith.constant 5120 : i32
    %add3A_820 = vector.broadcast %add3A_819 : i32 to vector<1x1024xi32>
    %add3A_821 = arith.addi %add3A_818, %add3A_820 : vector<1x1024xi32>
    %get3A_822 = arith.constant 0 : index
    %get3A_823 = arith.constant 0 : index
    %get3A_824 = vector.load %arg8[%get3A_822, %get3A_823] : memref<1x1024xf32, #tpu.memory_space<vmem>>, vector<1x1024xf32>
    %lt3A_825 = arith.cmpf olt, %broadcast_in_dim3A_806, %get3A_824 : vector<1x1024xf32>
    %get3A_826 = arith.constant 0 : index
    %get3A_827 = arith.constant 0 : index
    %get3A_828 = vector.load %arg9[%get3A_826, %get3A_827] : memref<1x1024xi32, #tpu.memory_space<vmem>>, vector<1x1024xi32>
    %select_n3A_829 = arith.select %lt3A_825, %add3A_821, %get3A_828 : vector<1x1024xi1>, vector<1x1024xi32>
    %swap3A_830 = arith.constant 0 : index
    %swap3A_831 = arith.constant 0 : index
    %swap3A_832 = vector.load %arg9[%swap3A_830, %swap3A_831] : memref<1x1024xi32, #tpu.memory_space<vmem>>, vector<1x1024xi32>
    tpu.vector_store %arg9[%swap3A_830, %swap3A_831], %select_n3A_829 {strides = array<i32>} : memref<1x1024xi32, #tpu.memory_space<vmem>>, vector<1x1024xi32>,
    %get3A_833 = arith.constant 0 : index
    %get3A_834 = arith.constant 0 : index
    %get3A_835 = vector.load %arg8[%get3A_833, %get3A_834] : memref<1x1024xf32, #tpu.memory_space<vmem>>, vector<1x1024xf32>
    %select_n3A_836 = arith.select %lt3A_825, %broadcast_in_dim3A_806, %get3A_835 : vector<1x1024xi1>, vector<1x1024xf32>
    %swap3A_837 = arith.constant 0 : index
    %swap3A_838 = arith.constant 0 : index
    %swap3A_839 = vector.load %arg8[%swap3A_837, %swap3A_838] : memref<1x1024xf32, #tpu.memory_space<vmem>>, vector<1x1024xf32>
    tpu.vector_store %arg8[%swap3A_837, %swap3A_838], %select_n3A_836 {strides = array<i32>} : memref<1x1024xf32, #tpu.memory_space<vmem>>, vector<1x1024xf32>,
    %slice3A_840 = vector.extract_strided_slice %concatenate3A_21 {offsets = [5632, 0], sizes = [256, 198], strides = [1, 1]} : vector<8192x198xbf16> to vector<256x198xbf16>
    %dot_general3A_841 = arith.constant dense<0.000000e+00> : vector<256x1024xf32>
    %dot_general3A_842 = tpu.matmul %slice3A_840, %get3A_24, %dot_general3A_841 {dimension_numbers = #tpu.dot_dimension_numbers<[1], [1], [0], [0], [0, 0, 1, 0], [], []>, transpose_lhs_hint = false} : vector<256x198xbf16>, vector<1024x198xbf16>, vector<256x1024xf32> -> vector<256x1024xf32>
    %reduce_min3A_843 = arith.constant dense<0x7F800000> : vector<1024xf32>
    %reduce_min3A_844 = vector.multi_reduction <minimumf>, %dot_general3A_803, %reduce_min3A_843 [0] : vector<256x1024xf32> to vector<1024xf32>
    %broadcast_in_dim3A_845 = vector.shape_cast %reduce_min3A_844 : vector<1024xf32> to vector<1x1024xf32>
    %eq3A_846 = vector.broadcast %broadcast_in_dim3A_845 : vector<1x1024xf32> to vector<256x1024xf32>
    %eq3A_847 = arith.cmpf oeq, %dot_general3A_803, %eq3A_846 : vector<256x1024xf32>
    %jit3A_848 = arith.constant 1073741824 : i32
    %broadcast_in_dim3A_849 = vector.broadcast %jit3A_848 : i32 to vector<256x1024xi32>
    %select_n3A_850 = arith.select %eq3A_847, %iota3A, %broadcast_in_dim3A_849 : vector<256x1024xi1>, vector<256x1024xi32>
    %reduce_min3A_851 = arith.constant dense<2147483647> : vector<1024xi32>
    %reduce_min3A_852 = vector.multi_reduction <minsi>, %select_n3A_850, %reduce_min3A_851 [0] : vector<256x1024xi32> to vector<1024xi32>
    %broadcast_in_dim3A_853 = vector.shape_cast %reduce_min3A_852 : vector<1024xi32> to vector<1x1024xi32>
    %mul3A_854 = arith.constant 8192 : i32
    %mul3A_855 = arith.muli %arg0, %mul3A_854 : i32
    %add3A_856 = vector.broadcast %mul3A_855 : i32 to vector<1x1024xi32>
    %add3A_857 = arith.addi %broadcast_in_dim3A_853, %add3A_856 : vector<1x1024xi32>
    %add3A_858 = arith.constant 5376 : i32
    %add3A_859 = vector.broadcast %add3A_858 : i32 to vector<1x1024xi32>
    %add3A_860 = arith.addi %add3A_857, %add3A_859 : vector<1x1024xi32>
    %get3A_861 = arith.constant 0 : index
    %get3A_862 = arith.constant 0 : index
    %get3A_863 = vector.load %arg8[%get3A_861, %get3A_862] : memref<1x1024xf32, #tpu.memory_space<vmem>>, vector<1x1024xf32>
    %lt3A_864 = arith.cmpf olt, %broadcast_in_dim3A_845, %get3A_863 : vector<1x1024xf32>
    %get3A_865 = arith.constant 0 : index
    %get3A_866 = arith.constant 0 : index
    %get3A_867 = vector.load %arg9[%get3A_865, %get3A_866] : memref<1x1024xi32, #tpu.memory_space<vmem>>, vector<1x1024xi32>
    %select_n3A_868 = arith.select %lt3A_864, %add3A_860, %get3A_867 : vector<1x1024xi1>, vector<1x1024xi32>
    %swap3A_869 = arith.constant 0 : index
    %swap3A_870 = arith.constant 0 : index
    %swap3A_871 = vector.load %arg9[%swap3A_869, %swap3A_870] : memref<1x1024xi32, #tpu.memory_space<vmem>>, vector<1x1024xi32>
    tpu.vector_store %arg9[%swap3A_869, %swap3A_870], %select_n3A_868 {strides = array<i32>} : memref<1x1024xi32, #tpu.memory_space<vmem>>, vector<1x1024xi32>,
    %get3A_872 = arith.constant 0 : index
    %get3A_873 = arith.constant 0 : index
    %get3A_874 = vector.load %arg8[%get3A_872, %get3A_873] : memref<1x1024xf32, #tpu.memory_space<vmem>>, vector<1x1024xf32>
    %select_n3A_875 = arith.select %lt3A_864, %broadcast_in_dim3A_845, %get3A_874 : vector<1x1024xi1>, vector<1x1024xf32>
    %swap3A_876 = arith.constant 0 : index
    %swap3A_877 = arith.constant 0 : index
    %swap3A_878 = vector.load %arg8[%swap3A_876, %swap3A_877] : memref<1x1024xf32, #tpu.memory_space<vmem>>, vector<1x1024xf32>
    tpu.vector_store %arg8[%swap3A_876, %swap3A_877], %select_n3A_875 {strides = array<i32>} : memref<1x1024xf32, #tpu.memory_space<vmem>>, vector<1x1024xf32>,
    %slice3A_879 = vector.extract_strided_slice %concatenate3A_21 {offsets = [5888, 0], sizes = [256, 198], strides = [1, 1]} : vector<8192x198xbf16> to vector<256x198xbf16>
    %dot_general3A_880 = arith.constant dense<0.000000e+00> : vector<256x1024xf32>
    %dot_general3A_881 = tpu.matmul %slice3A_879, %get3A_24, %dot_general3A_880 {dimension_numbers = #tpu.dot_dimension_numbers<[1], [1], [0], [0], [0, 0, 1, 0], [], []>, transpose_lhs_hint = false} : vector<256x198xbf16>, vector<1024x198xbf16>, vector<256x1024xf32> -> vector<256x1024xf32>
    %reduce_min3A_882 = arith.constant dense<0x7F800000> : vector<1024xf32>
    %reduce_min3A_883 = vector.multi_reduction <minimumf>, %dot_general3A_842, %reduce_min3A_882 [0] : vector<256x1024xf32> to vector<1024xf32>
    %broadcast_in_dim3A_884 = vector.shape_cast %reduce_min3A_883 : vector<1024xf32> to vector<1x1024xf32>
    %eq3A_885 = vector.broadcast %broadcast_in_dim3A_884 : vector<1x1024xf32> to vector<256x1024xf32>
    %eq3A_886 = arith.cmpf oeq, %dot_general3A_842, %eq3A_885 : vector<256x1024xf32>
    %jit3A_887 = arith.constant 1073741824 : i32
    %broadcast_in_dim3A_888 = vector.broadcast %jit3A_887 : i32 to vector<256x1024xi32>
    %select_n3A_889 = arith.select %eq3A_886, %iota3A, %broadcast_in_dim3A_888 : vector<256x1024xi1>, vector<256x1024xi32>
    %reduce_min3A_890 = arith.constant dense<2147483647> : vector<1024xi32>
    %reduce_min3A_891 = vector.multi_reduction <minsi>, %select_n3A_889, %reduce_min3A_890 [0] : vector<256x1024xi32> to vector<1024xi32>
    %broadcast_in_dim3A_892 = vector.shape_cast %reduce_min3A_891 : vector<1024xi32> to vector<1x1024xi32>
    %mul3A_893 = arith.constant 8192 : i32
    %mul3A_894 = arith.muli %arg0, %mul3A_893 : i32
    %add3A_895 = vector.broadcast %mul3A_894 : i32 to vector<1x1024xi32>
    %add3A_896 = arith.addi %broadcast_in_dim3A_892, %add3A_895 : vector<1x1024xi32>
    %add3A_897 = arith.constant 5632 : i32
    %add3A_898 = vector.broadcast %add3A_897 : i32 to vector<1x1024xi32>
    %add3A_899 = arith.addi %add3A_896, %add3A_898 : vector<1x1024xi32>
    %get3A_900 = arith.constant 0 : index
    %get3A_901 = arith.constant 0 : index
    %get3A_902 = vector.load %arg8[%get3A_900, %get3A_901] : memref<1x1024xf32, #tpu.memory_space<vmem>>, vector<1x1024xf32>
    %lt3A_903 = arith.cmpf olt, %broadcast_in_dim3A_884, %get3A_902 : vector<1x1024xf32>
    %get3A_904 = arith.constant 0 : index
    %get3A_905 = arith.constant 0 : index
    %get3A_906 = vector.load %arg9[%get3A_904, %get3A_905] : memref<1x1024xi32, #tpu.memory_space<vmem>>, vector<1x1024xi32>
    %select_n3A_907 = arith.select %lt3A_903, %add3A_899, %get3A_906 : vector<1x1024xi1>, vector<1x1024xi32>
    %swap3A_908 = arith.constant 0 : index
    %swap3A_909 = arith.constant 0 : index
    %swap3A_910 = vector.load %arg9[%swap3A_908, %swap3A_909] : memref<1x1024xi32, #tpu.memory_space<vmem>>, vector<1x1024xi32>
    tpu.vector_store %arg9[%swap3A_908, %swap3A_909], %select_n3A_907 {strides = array<i32>} : memref<1x1024xi32, #tpu.memory_space<vmem>>, vector<1x1024xi32>,
    %get3A_911 = arith.constant 0 : index
    %get3A_912 = arith.constant 0 : index
    %get3A_913 = vector.load %arg8[%get3A_911, %get3A_912] : memref<1x1024xf32, #tpu.memory_space<vmem>>, vector<1x1024xf32>
    %select_n3A_914 = arith.select %lt3A_903, %broadcast_in_dim3A_884, %get3A_913 : vector<1x1024xi1>, vector<1x1024xf32>
    %swap3A_915 = arith.constant 0 : index
    %swap3A_916 = arith.constant 0 : index
    %swap3A_917 = vector.load %arg8[%swap3A_915, %swap3A_916] : memref<1x1024xf32, #tpu.memory_space<vmem>>, vector<1x1024xf32>
    tpu.vector_store %arg8[%swap3A_915, %swap3A_916], %select_n3A_914 {strides = array<i32>} : memref<1x1024xf32, #tpu.memory_space<vmem>>, vector<1x1024xf32>,
    %slice3A_918 = vector.extract_strided_slice %concatenate3A_21 {offsets = [6144, 0], sizes = [256, 198], strides = [1, 1]} : vector<8192x198xbf16> to vector<256x198xbf16>
    %dot_general3A_919 = arith.constant dense<0.000000e+00> : vector<256x1024xf32>
    %dot_general3A_920 = tpu.matmul %slice3A_918, %get3A_24, %dot_general3A_919 {dimension_numbers = #tpu.dot_dimension_numbers<[1], [1], [0], [0], [0, 0, 1, 0], [], []>, transpose_lhs_hint = false} : vector<256x198xbf16>, vector<1024x198xbf16>, vector<256x1024xf32> -> vector<256x1024xf32>
    %reduce_min3A_921 = arith.constant dense<0x7F800000> : vector<1024xf32>
    %reduce_min3A_922 = vector.multi_reduction <minimumf>, %dot_general3A_881, %reduce_min3A_921 [0] : vector<256x1024xf32> to vector<1024xf32>
    %broadcast_in_dim3A_923 = vector.shape_cast %reduce_min3A_922 : vector<1024xf32> to vector<1x1024xf32>
    %eq3A_924 = vector.broadcast %broadcast_in_dim3A_923 : vector<1x1024xf32> to vector<256x1024xf32>
    %eq3A_925 = arith.cmpf oeq, %dot_general3A_881, %eq3A_924 : vector<256x1024xf32>
    %jit3A_926 = arith.constant 1073741824 : i32
    %broadcast_in_dim3A_927 = vector.broadcast %jit3A_926 : i32 to vector<256x1024xi32>
    %select_n3A_928 = arith.select %eq3A_925, %iota3A, %broadcast_in_dim3A_927 : vector<256x1024xi1>, vector<256x1024xi32>
    %reduce_min3A_929 = arith.constant dense<2147483647> : vector<1024xi32>
    %reduce_min3A_930 = vector.multi_reduction <minsi>, %select_n3A_928, %reduce_min3A_929 [0] : vector<256x1024xi32> to vector<1024xi32>
    %broadcast_in_dim3A_931 = vector.shape_cast %reduce_min3A_930 : vector<1024xi32> to vector<1x1024xi32>
    %mul3A_932 = arith.constant 8192 : i32
    %mul3A_933 = arith.muli %arg0, %mul3A_932 : i32
    %add3A_934 = vector.broadcast %mul3A_933 : i32 to vector<1x1024xi32>
    %add3A_935 = arith.addi %broadcast_in_dim3A_931, %add3A_934 : vector<1x1024xi32>
    %add3A_936 = arith.constant 5888 : i32
    %add3A_937 = vector.broadcast %add3A_936 : i32 to vector<1x1024xi32>
    %add3A_938 = arith.addi %add3A_935, %add3A_937 : vector<1x1024xi32>
    %get3A_939 = arith.constant 0 : index
    %get3A_940 = arith.constant 0 : index
    %get3A_941 = vector.load %arg8[%get3A_939, %get3A_940] : memref<1x1024xf32, #tpu.memory_space<vmem>>, vector<1x1024xf32>
    %lt3A_942 = arith.cmpf olt, %broadcast_in_dim3A_923, %get3A_941 : vector<1x1024xf32>
    %get3A_943 = arith.constant 0 : index
    %get3A_944 = arith.constant 0 : index
    %get3A_945 = vector.load %arg9[%get3A_943, %get3A_944] : memref<1x1024xi32, #tpu.memory_space<vmem>>, vector<1x1024xi32>
    %select_n3A_946 = arith.select %lt3A_942, %add3A_938, %get3A_945 : vector<1x1024xi1>, vector<1x1024xi32>
    %swap3A_947 = arith.constant 0 : index
    %swap3A_948 = arith.constant 0 : index
    %swap3A_949 = vector.load %arg9[%swap3A_947, %swap3A_948] : memref<1x1024xi32, #tpu.memory_space<vmem>>, vector<1x1024xi32>
    tpu.vector_store %arg9[%swap3A_947, %swap3A_948], %select_n3A_946 {strides = array<i32>} : memref<1x1024xi32, #tpu.memory_space<vmem>>, vector<1x1024xi32>,
    %get3A_950 = arith.constant 0 : index
    %get3A_951 = arith.constant 0 : index
    %get3A_952 = vector.load %arg8[%get3A_950, %get3A_951] : memref<1x1024xf32, #tpu.memory_space<vmem>>, vector<1x1024xf32>
    %select_n3A_953 = arith.select %lt3A_942, %broadcast_in_dim3A_923, %get3A_952 : vector<1x1024xi1>, vector<1x1024xf32>
    %swap3A_954 = arith.constant 0 : index
    %swap3A_955 = arith.constant 0 : index
    %swap3A_956 = vector.load %arg8[%swap3A_954, %swap3A_955] : memref<1x1024xf32, #tpu.memory_space<vmem>>, vector<1x1024xf32>
    tpu.vector_store %arg8[%swap3A_954, %swap3A_955], %select_n3A_953 {strides = array<i32>} : memref<1x1024xf32, #tpu.memory_space<vmem>>, vector<1x1024xf32>,
    %slice3A_957 = vector.extract_strided_slice %concatenate3A_21 {offsets = [6400, 0], sizes = [256, 198], strides = [1, 1]} : vector<8192x198xbf16> to vector<256x198xbf16>
    %dot_general3A_958 = arith.constant dense<0.000000e+00> : vector<256x1024xf32>
    %dot_general3A_959 = tpu.matmul %slice3A_957, %get3A_24, %dot_general3A_958 {dimension_numbers = #tpu.dot_dimension_numbers<[1], [1], [0], [0], [0, 0, 1, 0], [], []>, transpose_lhs_hint = false} : vector<256x198xbf16>, vector<1024x198xbf16>, vector<256x1024xf32> -> vector<256x1024xf32>
    %reduce_min3A_960 = arith.constant dense<0x7F800000> : vector<1024xf32>
    %reduce_min3A_961 = vector.multi_reduction <minimumf>, %dot_general3A_920, %reduce_min3A_960 [0] : vector<256x1024xf32> to vector<1024xf32>
    %broadcast_in_dim3A_962 = vector.shape_cast %reduce_min3A_961 : vector<1024xf32> to vector<1x1024xf32>
    %eq3A_963 = vector.broadcast %broadcast_in_dim3A_962 : vector<1x1024xf32> to vector<256x1024xf32>
    %eq3A_964 = arith.cmpf oeq, %dot_general3A_920, %eq3A_963 : vector<256x1024xf32>
    %jit3A_965 = arith.constant 1073741824 : i32
    %broadcast_in_dim3A_966 = vector.broadcast %jit3A_965 : i32 to vector<256x1024xi32>
    %select_n3A_967 = arith.select %eq3A_964, %iota3A, %broadcast_in_dim3A_966 : vector<256x1024xi1>, vector<256x1024xi32>
    %reduce_min3A_968 = arith.constant dense<2147483647> : vector<1024xi32>
    %reduce_min3A_969 = vector.multi_reduction <minsi>, %select_n3A_967, %reduce_min3A_968 [0] : vector<256x1024xi32> to vector<1024xi32>
    %broadcast_in_dim3A_970 = vector.shape_cast %reduce_min3A_969 : vector<1024xi32> to vector<1x1024xi32>
    %mul3A_971 = arith.constant 8192 : i32
    %mul3A_972 = arith.muli %arg0, %mul3A_971 : i32
    %add3A_973 = vector.broadcast %mul3A_972 : i32 to vector<1x1024xi32>
    %add3A_974 = arith.addi %broadcast_in_dim3A_970, %add3A_973 : vector<1x1024xi32>
    %add3A_975 = arith.constant 6144 : i32
    %add3A_976 = vector.broadcast %add3A_975 : i32 to vector<1x1024xi32>
    %add3A_977 = arith.addi %add3A_974, %add3A_976 : vector<1x1024xi32>
    %get3A_978 = arith.constant 0 : index
    %get3A_979 = arith.constant 0 : index
    %get3A_980 = vector.load %arg8[%get3A_978, %get3A_979] : memref<1x1024xf32, #tpu.memory_space<vmem>>, vector<1x1024xf32>
    %lt3A_981 = arith.cmpf olt, %broadcast_in_dim3A_962, %get3A_980 : vector<1x1024xf32>
    %get3A_982 = arith.constant 0 : index
    %get3A_983 = arith.constant 0 : index
    %get3A_984 = vector.load %arg9[%get3A_982, %get3A_983] : memref<1x1024xi32, #tpu.memory_space<vmem>>, vector<1x1024xi32>
    %select_n3A_985 = arith.select %lt3A_981, %add3A_977, %get3A_984 : vector<1x1024xi1>, vector<1x1024xi32>
    %swap3A_986 = arith.constant 0 : index
    %swap3A_987 = arith.constant 0 : index
    %swap3A_988 = vector.load %arg9[%swap3A_986, %swap3A_987] : memref<1x1024xi32, #tpu.memory_space<vmem>>, vector<1x1024xi32>
    tpu.vector_store %arg9[%swap3A_986, %swap3A_987], %select_n3A_985 {strides = array<i32>} : memref<1x1024xi32, #tpu.memory_space<vmem>>, vector<1x1024xi32>,
    %get3A_989 = arith.constant 0 : index
    %get3A_990 = arith.constant 0 : index
    %get3A_991 = vector.load %arg8[%get3A_989, %get3A_990] : memref<1x1024xf32, #tpu.memory_space<vmem>>, vector<1x1024xf32>
    %select_n3A_992 = arith.select %lt3A_981, %broadcast_in_dim3A_962, %get3A_991 : vector<1x1024xi1>, vector<1x1024xf32>
    %swap3A_993 = arith.constant 0 : index
    %swap3A_994 = arith.constant 0 : index
    %swap3A_995 = vector.load %arg8[%swap3A_993, %swap3A_994] : memref<1x1024xf32, #tpu.memory_space<vmem>>, vector<1x1024xf32>
    tpu.vector_store %arg8[%swap3A_993, %swap3A_994], %select_n3A_992 {strides = array<i32>} : memref<1x1024xf32, #tpu.memory_space<vmem>>, vector<1x1024xf32>,
    %slice3A_996 = vector.extract_strided_slice %concatenate3A_21 {offsets = [6656, 0], sizes = [256, 198], strides = [1, 1]} : vector<8192x198xbf16> to vector<256x198xbf16>
    %dot_general3A_997 = arith.constant dense<0.000000e+00> : vector<256x1024xf32>
    %dot_general3A_998 = tpu.matmul %slice3A_996, %get3A_24, %dot_general3A_997 {dimension_numbers = #tpu.dot_dimension_numbers<[1], [1], [0], [0], [0, 0, 1, 0], [], []>, transpose_lhs_hint = false} : vector<256x198xbf16>, vector<1024x198xbf16>, vector<256x1024xf32> -> vector<256x1024xf32>
    %reduce_min3A_999 = arith.constant dense<0x7F800000> : vector<1024xf32>
    %reduce_min3A_1000 = vector.multi_reduction <minimumf>, %dot_general3A_959, %reduce_min3A_999 [0] : vector<256x1024xf32> to vector<1024xf32>
    %broadcast_in_dim3A_1001 = vector.shape_cast %reduce_min3A_1000 : vector<1024xf32> to vector<1x1024xf32>
    %eq3A_1002 = vector.broadcast %broadcast_in_dim3A_1001 : vector<1x1024xf32> to vector<256x1024xf32>
    %eq3A_1003 = arith.cmpf oeq, %dot_general3A_959, %eq3A_1002 : vector<256x1024xf32>
    %jit3A_1004 = arith.constant 1073741824 : i32
    %broadcast_in_dim3A_1005 = vector.broadcast %jit3A_1004 : i32 to vector<256x1024xi32>
    %select_n3A_1006 = arith.select %eq3A_1003, %iota3A, %broadcast_in_dim3A_1005 : vector<256x1024xi1>, vector<256x1024xi32>
    %reduce_min3A_1007 = arith.constant dense<2147483647> : vector<1024xi32>
    %reduce_min3A_1008 = vector.multi_reduction <minsi>, %select_n3A_1006, %reduce_min3A_1007 [0] : vector<256x1024xi32> to vector<1024xi32>
    %broadcast_in_dim3A_1009 = vector.shape_cast %reduce_min3A_1008 : vector<1024xi32> to vector<1x1024xi32>
    %mul3A_1010 = arith.constant 8192 : i32
    %mul3A_1011 = arith.muli %arg0, %mul3A_1010 : i32
    %add3A_1012 = vector.broadcast %mul3A_1011 : i32 to vector<1x1024xi32>
    %add3A_1013 = arith.addi %broadcast_in_dim3A_1009, %add3A_1012 : vector<1x1024xi32>
    %add3A_1014 = arith.constant 6400 : i32
    %add3A_1015 = vector.broadcast %add3A_1014 : i32 to vector<1x1024xi32>
    %add3A_1016 = arith.addi %add3A_1013, %add3A_1015 : vector<1x1024xi32>
    %get3A_1017 = arith.constant 0 : index
    %get3A_1018 = arith.constant 0 : index
    %get3A_1019 = vector.load %arg8[%get3A_1017, %get3A_1018] : memref<1x1024xf32, #tpu.memory_space<vmem>>, vector<1x1024xf32>
    %lt3A_1020 = arith.cmpf olt, %broadcast_in_dim3A_1001, %get3A_1019 : vector<1x1024xf32>
    %get3A_1021 = arith.constant 0 : index
    %get3A_1022 = arith.constant 0 : index
    %get3A_1023 = vector.load %arg9[%get3A_1021, %get3A_1022] : memref<1x1024xi32, #tpu.memory_space<vmem>>, vector<1x1024xi32>
    %select_n3A_1024 = arith.select %lt3A_1020, %add3A_1016, %get3A_1023 : vector<1x1024xi1>, vector<1x1024xi32>
    %swap3A_1025 = arith.constant 0 : index
    %swap3A_1026 = arith.constant 0 : index
    %swap3A_1027 = vector.load %arg9[%swap3A_1025, %swap3A_1026] : memref<1x1024xi32, #tpu.memory_space<vmem>>, vector<1x1024xi32>
    tpu.vector_store %arg9[%swap3A_1025, %swap3A_1026], %select_n3A_1024 {strides = array<i32>} : memref<1x1024xi32, #tpu.memory_space<vmem>>, vector<1x1024xi32>,
    %get3A_1028 = arith.constant 0 : index
    %get3A_1029 = arith.constant 0 : index
    %get3A_1030 = vector.load %arg8[%get3A_1028, %get3A_1029] : memref<1x1024xf32, #tpu.memory_space<vmem>>, vector<1x1024xf32>
    %select_n3A_1031 = arith.select %lt3A_1020, %broadcast_in_dim3A_1001, %get3A_1030 : vector<1x1024xi1>, vector<1x1024xf32>
    %swap3A_1032 = arith.constant 0 : index
    %swap3A_1033 = arith.constant 0 : index
    %swap3A_1034 = vector.load %arg8[%swap3A_1032, %swap3A_1033] : memref<1x1024xf32, #tpu.memory_space<vmem>>, vector<1x1024xf32>
    tpu.vector_store %arg8[%swap3A_1032, %swap3A_1033], %select_n3A_1031 {strides = array<i32>} : memref<1x1024xf32, #tpu.memory_space<vmem>>, vector<1x1024xf32>,
    %slice3A_1035 = vector.extract_strided_slice %concatenate3A_21 {offsets = [6912, 0], sizes = [256, 198], strides = [1, 1]} : vector<8192x198xbf16> to vector<256x198xbf16>
    %dot_general3A_1036 = arith.constant dense<0.000000e+00> : vector<256x1024xf32>
    %dot_general3A_1037 = tpu.matmul %slice3A_1035, %get3A_24, %dot_general3A_1036 {dimension_numbers = #tpu.dot_dimension_numbers<[1], [1], [0], [0], [0, 0, 1, 0], [], []>, transpose_lhs_hint = false} : vector<256x198xbf16>, vector<1024x198xbf16>, vector<256x1024xf32> -> vector<256x1024xf32>
    %reduce_min3A_1038 = arith.constant dense<0x7F800000> : vector<1024xf32>
    %reduce_min3A_1039 = vector.multi_reduction <minimumf>, %dot_general3A_998, %reduce_min3A_1038 [0] : vector<256x1024xf32> to vector<1024xf32>
    %broadcast_in_dim3A_1040 = vector.shape_cast %reduce_min3A_1039 : vector<1024xf32> to vector<1x1024xf32>
    %eq3A_1041 = vector.broadcast %broadcast_in_dim3A_1040 : vector<1x1024xf32> to vector<256x1024xf32>
    %eq3A_1042 = arith.cmpf oeq, %dot_general3A_998, %eq3A_1041 : vector<256x1024xf32>
    %jit3A_1043 = arith.constant 1073741824 : i32
    %broadcast_in_dim3A_1044 = vector.broadcast %jit3A_1043 : i32 to vector<256x1024xi32>
    %select_n3A_1045 = arith.select %eq3A_1042, %iota3A, %broadcast_in_dim3A_1044 : vector<256x1024xi1>, vector<256x1024xi32>
    %reduce_min3A_1046 = arith.constant dense<2147483647> : vector<1024xi32>
    %reduce_min3A_1047 = vector.multi_reduction <minsi>, %select_n3A_1045, %reduce_min3A_1046 [0] : vector<256x1024xi32> to vector<1024xi32>
    %broadcast_in_dim3A_1048 = vector.shape_cast %reduce_min3A_1047 : vector<1024xi32> to vector<1x1024xi32>
    %mul3A_1049 = arith.constant 8192 : i32
    %mul3A_1050 = arith.muli %arg0, %mul3A_1049 : i32
    %add3A_1051 = vector.broadcast %mul3A_1050 : i32 to vector<1x1024xi32>
    %add3A_1052 = arith.addi %broadcast_in_dim3A_1048, %add3A_1051 : vector<1x1024xi32>
    %add3A_1053 = arith.constant 6656 : i32
    %add3A_1054 = vector.broadcast %add3A_1053 : i32 to vector<1x1024xi32>
    %add3A_1055 = arith.addi %add3A_1052, %add3A_1054 : vector<1x1024xi32>
    %get3A_1056 = arith.constant 0 : index
    %get3A_1057 = arith.constant 0 : index
    %get3A_1058 = vector.load %arg8[%get3A_1056, %get3A_1057] : memref<1x1024xf32, #tpu.memory_space<vmem>>, vector<1x1024xf32>
    %lt3A_1059 = arith.cmpf olt, %broadcast_in_dim3A_1040, %get3A_1058 : vector<1x1024xf32>
    %get3A_1060 = arith.constant 0 : index
    %get3A_1061 = arith.constant 0 : index
    %get3A_1062 = vector.load %arg9[%get3A_1060, %get3A_1061] : memref<1x1024xi32, #tpu.memory_space<vmem>>, vector<1x1024xi32>
    %select_n3A_1063 = arith.select %lt3A_1059, %add3A_1055, %get3A_1062 : vector<1x1024xi1>, vector<1x1024xi32>
    %swap3A_1064 = arith.constant 0 : index
    %swap3A_1065 = arith.constant 0 : index
    %swap3A_1066 = vector.load %arg9[%swap3A_1064, %swap3A_1065] : memref<1x1024xi32, #tpu.memory_space<vmem>>, vector<1x1024xi32>
    tpu.vector_store %arg9[%swap3A_1064, %swap3A_1065], %select_n3A_1063 {strides = array<i32>} : memref<1x1024xi32, #tpu.memory_space<vmem>>, vector<1x1024xi32>,
    %get3A_1067 = arith.constant 0 : index
    %get3A_1068 = arith.constant 0 : index
    %get3A_1069 = vector.load %arg8[%get3A_1067, %get3A_1068] : memref<1x1024xf32, #tpu.memory_space<vmem>>, vector<1x1024xf32>
    %select_n3A_1070 = arith.select %lt3A_1059, %broadcast_in_dim3A_1040, %get3A_1069 : vector<1x1024xi1>, vector<1x1024xf32>
    %swap3A_1071 = arith.constant 0 : index
    %swap3A_1072 = arith.constant 0 : index
    %swap3A_1073 = vector.load %arg8[%swap3A_1071, %swap3A_1072] : memref<1x1024xf32, #tpu.memory_space<vmem>>, vector<1x1024xf32>
    tpu.vector_store %arg8[%swap3A_1071, %swap3A_1072], %select_n3A_1070 {strides = array<i32>} : memref<1x1024xf32, #tpu.memory_space<vmem>>, vector<1x1024xf32>,
    %slice3A_1074 = vector.extract_strided_slice %concatenate3A_21 {offsets = [7168, 0], sizes = [256, 198], strides = [1, 1]} : vector<8192x198xbf16> to vector<256x198xbf16>
    %dot_general3A_1075 = arith.constant dense<0.000000e+00> : vector<256x1024xf32>
    %dot_general3A_1076 = tpu.matmul %slice3A_1074, %get3A_24, %dot_general3A_1075 {dimension_numbers = #tpu.dot_dimension_numbers<[1], [1], [0], [0], [0, 0, 1, 0], [], []>, transpose_lhs_hint = false} : vector<256x198xbf16>, vector<1024x198xbf16>, vector<256x1024xf32> -> vector<256x1024xf32>
    %reduce_min3A_1077 = arith.constant dense<0x7F800000> : vector<1024xf32>
    %reduce_min3A_1078 = vector.multi_reduction <minimumf>, %dot_general3A_1037, %reduce_min3A_1077 [0] : vector<256x1024xf32> to vector<1024xf32>
    %broadcast_in_dim3A_1079 = vector.shape_cast %reduce_min3A_1078 : vector<1024xf32> to vector<1x1024xf32>
    %eq3A_1080 = vector.broadcast %broadcast_in_dim3A_1079 : vector<1x1024xf32> to vector<256x1024xf32>
    %eq3A_1081 = arith.cmpf oeq, %dot_general3A_1037, %eq3A_1080 : vector<256x1024xf32>
    %jit3A_1082 = arith.constant 1073741824 : i32
    %broadcast_in_dim3A_1083 = vector.broadcast %jit3A_1082 : i32 to vector<256x1024xi32>
    %select_n3A_1084 = arith.select %eq3A_1081, %iota3A, %broadcast_in_dim3A_1083 : vector<256x1024xi1>, vector<256x1024xi32>
    %reduce_min3A_1085 = arith.constant dense<2147483647> : vector<1024xi32>
    %reduce_min3A_1086 = vector.multi_reduction <minsi>, %select_n3A_1084, %reduce_min3A_1085 [0] : vector<256x1024xi32> to vector<1024xi32>
    %broadcast_in_dim3A_1087 = vector.shape_cast %reduce_min3A_1086 : vector<1024xi32> to vector<1x1024xi32>
    %mul3A_1088 = arith.constant 8192 : i32
    %mul3A_1089 = arith.muli %arg0, %mul3A_1088 : i32
    %add3A_1090 = vector.broadcast %mul3A_1089 : i32 to vector<1x1024xi32>
    %add3A_1091 = arith.addi %broadcast_in_dim3A_1087, %add3A_1090 : vector<1x1024xi32>
    %add3A_1092 = arith.constant 6912 : i32
    %add3A_1093 = vector.broadcast %add3A_1092 : i32 to vector<1x1024xi32>
    %add3A_1094 = arith.addi %add3A_1091, %add3A_1093 : vector<1x1024xi32>
    %get3A_1095 = arith.constant 0 : index
    %get3A_1096 = arith.constant 0 : index
    %get3A_1097 = vector.load %arg8[%get3A_1095, %get3A_1096] : memref<1x1024xf32, #tpu.memory_space<vmem>>, vector<1x1024xf32>
    %lt3A_1098 = arith.cmpf olt, %broadcast_in_dim3A_1079, %get3A_1097 : vector<1x1024xf32>
    %get3A_1099 = arith.constant 0 : index
    %get3A_1100 = arith.constant 0 : index
    %get3A_1101 = vector.load %arg9[%get3A_1099, %get3A_1100] : memref<1x1024xi32, #tpu.memory_space<vmem>>, vector<1x1024xi32>
    %select_n3A_1102 = arith.select %lt3A_1098, %add3A_1094, %get3A_1101 : vector<1x1024xi1>, vector<1x1024xi32>
    %swap3A_1103 = arith.constant 0 : index
    %swap3A_1104 = arith.constant 0 : index
    %swap3A_1105 = vector.load %arg9[%swap3A_1103, %swap3A_1104] : memref<1x1024xi32, #tpu.memory_space<vmem>>, vector<1x1024xi32>
    tpu.vector_store %arg9[%swap3A_1103, %swap3A_1104], %select_n3A_1102 {strides = array<i32>} : memref<1x1024xi32, #tpu.memory_space<vmem>>, vector<1x1024xi32>,
    %get3A_1106 = arith.constant 0 : index
    %get3A_1107 = arith.constant 0 : index
    %get3A_1108 = vector.load %arg8[%get3A_1106, %get3A_1107] : memref<1x1024xf32, #tpu.memory_space<vmem>>, vector<1x1024xf32>
    %select_n3A_1109 = arith.select %lt3A_1098, %broadcast_in_dim3A_1079, %get3A_1108 : vector<1x1024xi1>, vector<1x1024xf32>
    %swap3A_1110 = arith.constant 0 : index
    %swap3A_1111 = arith.constant 0 : index
    %swap3A_1112 = vector.load %arg8[%swap3A_1110, %swap3A_1111] : memref<1x1024xf32, #tpu.memory_space<vmem>>, vector<1x1024xf32>
    tpu.vector_store %arg8[%swap3A_1110, %swap3A_1111], %select_n3A_1109 {strides = array<i32>} : memref<1x1024xf32, #tpu.memory_space<vmem>>, vector<1x1024xf32>,
    %slice3A_1113 = vector.extract_strided_slice %concatenate3A_21 {offsets = [7424, 0], sizes = [256, 198], strides = [1, 1]} : vector<8192x198xbf16> to vector<256x198xbf16>
    %dot_general3A_1114 = arith.constant dense<0.000000e+00> : vector<256x1024xf32>
    %dot_general3A_1115 = tpu.matmul %slice3A_1113, %get3A_24, %dot_general3A_1114 {dimension_numbers = #tpu.dot_dimension_numbers<[1], [1], [0], [0], [0, 0, 1, 0], [], []>, transpose_lhs_hint = false} : vector<256x198xbf16>, vector<1024x198xbf16>, vector<256x1024xf32> -> vector<256x1024xf32>
    %reduce_min3A_1116 = arith.constant dense<0x7F800000> : vector<1024xf32>
    %reduce_min3A_1117 = vector.multi_reduction <minimumf>, %dot_general3A_1076, %reduce_min3A_1116 [0] : vector<256x1024xf32> to vector<1024xf32>
    %broadcast_in_dim3A_1118 = vector.shape_cast %reduce_min3A_1117 : vector<1024xf32> to vector<1x1024xf32>
    %eq3A_1119 = vector.broadcast %broadcast_in_dim3A_1118 : vector<1x1024xf32> to vector<256x1024xf32>
    %eq3A_1120 = arith.cmpf oeq, %dot_general3A_1076, %eq3A_1119 : vector<256x1024xf32>
    %jit3A_1121 = arith.constant 1073741824 : i32
    %broadcast_in_dim3A_1122 = vector.broadcast %jit3A_1121 : i32 to vector<256x1024xi32>
    %select_n3A_1123 = arith.select %eq3A_1120, %iota3A, %broadcast_in_dim3A_1122 : vector<256x1024xi1>, vector<256x1024xi32>
    %reduce_min3A_1124 = arith.constant dense<2147483647> : vector<1024xi32>
    %reduce_min3A_1125 = vector.multi_reduction <minsi>, %select_n3A_1123, %reduce_min3A_1124 [0] : vector<256x1024xi32> to vector<1024xi32>
    %broadcast_in_dim3A_1126 = vector.shape_cast %reduce_min3A_1125 : vector<1024xi32> to vector<1x1024xi32>
    %mul3A_1127 = arith.constant 8192 : i32
    %mul3A_1128 = arith.muli %arg0, %mul3A_1127 : i32
    %add3A_1129 = vector.broadcast %mul3A_1128 : i32 to vector<1x1024xi32>
    %add3A_1130 = arith.addi %broadcast_in_dim3A_1126, %add3A_1129 : vector<1x1024xi32>
    %add3A_1131 = arith.constant 7168 : i32
    %add3A_1132 = vector.broadcast %add3A_1131 : i32 to vector<1x1024xi32>
    %add3A_1133 = arith.addi %add3A_1130, %add3A_1132 : vector<1x1024xi32>
    %get3A_1134 = arith.constant 0 : index
    %get3A_1135 = arith.constant 0 : index
    %get3A_1136 = vector.load %arg8[%get3A_1134, %get3A_1135] : memref<1x1024xf32, #tpu.memory_space<vmem>>, vector<1x1024xf32>
    %lt3A_1137 = arith.cmpf olt, %broadcast_in_dim3A_1118, %get3A_1136 : vector<1x1024xf32>
    %get3A_1138 = arith.constant 0 : index
    %get3A_1139 = arith.constant 0 : index
    %get3A_1140 = vector.load %arg9[%get3A_1138, %get3A_1139] : memref<1x1024xi32, #tpu.memory_space<vmem>>, vector<1x1024xi32>
    %select_n3A_1141 = arith.select %lt3A_1137, %add3A_1133, %get3A_1140 : vector<1x1024xi1>, vector<1x1024xi32>
    %swap3A_1142 = arith.constant 0 : index
    %swap3A_1143 = arith.constant 0 : index
    %swap3A_1144 = vector.load %arg9[%swap3A_1142, %swap3A_1143] : memref<1x1024xi32, #tpu.memory_space<vmem>>, vector<1x1024xi32>
    tpu.vector_store %arg9[%swap3A_1142, %swap3A_1143], %select_n3A_1141 {strides = array<i32>} : memref<1x1024xi32, #tpu.memory_space<vmem>>, vector<1x1024xi32>,
    %get3A_1145 = arith.constant 0 : index
    %get3A_1146 = arith.constant 0 : index
    %get3A_1147 = vector.load %arg8[%get3A_1145, %get3A_1146] : memref<1x1024xf32, #tpu.memory_space<vmem>>, vector<1x1024xf32>
    %select_n3A_1148 = arith.select %lt3A_1137, %broadcast_in_dim3A_1118, %get3A_1147 : vector<1x1024xi1>, vector<1x1024xf32>
    %swap3A_1149 = arith.constant 0 : index
    %swap3A_1150 = arith.constant 0 : index
    %swap3A_1151 = vector.load %arg8[%swap3A_1149, %swap3A_1150] : memref<1x1024xf32, #tpu.memory_space<vmem>>, vector<1x1024xf32>
    tpu.vector_store %arg8[%swap3A_1149, %swap3A_1150], %select_n3A_1148 {strides = array<i32>} : memref<1x1024xf32, #tpu.memory_space<vmem>>, vector<1x1024xf32>,
    %slice3A_1152 = vector.extract_strided_slice %concatenate3A_21 {offsets = [7680, 0], sizes = [256, 198], strides = [1, 1]} : vector<8192x198xbf16> to vector<256x198xbf16>
    %dot_general3A_1153 = arith.constant dense<0.000000e+00> : vector<256x1024xf32>
    %dot_general3A_1154 = tpu.matmul %slice3A_1152, %get3A_24, %dot_general3A_1153 {dimension_numbers = #tpu.dot_dimension_numbers<[1], [1], [0], [0], [0, 0, 1, 0], [], []>, transpose_lhs_hint = false} : vector<256x198xbf16>, vector<1024x198xbf16>, vector<256x1024xf32> -> vector<256x1024xf32>
    %reduce_min3A_1155 = arith.constant dense<0x7F800000> : vector<1024xf32>
    %reduce_min3A_1156 = vector.multi_reduction <minimumf>, %dot_general3A_1115, %reduce_min3A_1155 [0] : vector<256x1024xf32> to vector<1024xf32>
    %broadcast_in_dim3A_1157 = vector.shape_cast %reduce_min3A_1156 : vector<1024xf32> to vector<1x1024xf32>
    %eq3A_1158 = vector.broadcast %broadcast_in_dim3A_1157 : vector<1x1024xf32> to vector<256x1024xf32>
    %eq3A_1159 = arith.cmpf oeq, %dot_general3A_1115, %eq3A_1158 : vector<256x1024xf32>
    %jit3A_1160 = arith.constant 1073741824 : i32
    %broadcast_in_dim3A_1161 = vector.broadcast %jit3A_1160 : i32 to vector<256x1024xi32>
    %select_n3A_1162 = arith.select %eq3A_1159, %iota3A, %broadcast_in_dim3A_1161 : vector<256x1024xi1>, vector<256x1024xi32>
    %reduce_min3A_1163 = arith.constant dense<2147483647> : vector<1024xi32>
    %reduce_min3A_1164 = vector.multi_reduction <minsi>, %select_n3A_1162, %reduce_min3A_1163 [0] : vector<256x1024xi32> to vector<1024xi32>
    %broadcast_in_dim3A_1165 = vector.shape_cast %reduce_min3A_1164 : vector<1024xi32> to vector<1x1024xi32>
    %mul3A_1166 = arith.constant 8192 : i32
    %mul3A_1167 = arith.muli %arg0, %mul3A_1166 : i32
    %add3A_1168 = vector.broadcast %mul3A_1167 : i32 to vector<1x1024xi32>
    %add3A_1169 = arith.addi %broadcast_in_dim3A_1165, %add3A_1168 : vector<1x1024xi32>
    %add3A_1170 = arith.constant 7424 : i32
    %add3A_1171 = vector.broadcast %add3A_1170 : i32 to vector<1x1024xi32>
    %add3A_1172 = arith.addi %add3A_1169, %add3A_1171 : vector<1x1024xi32>
    %get3A_1173 = arith.constant 0 : index
    %get3A_1174 = arith.constant 0 : index
    %get3A_1175 = vector.load %arg8[%get3A_1173, %get3A_1174] : memref<1x1024xf32, #tpu.memory_space<vmem>>, vector<1x1024xf32>
    %lt3A_1176 = arith.cmpf olt, %broadcast_in_dim3A_1157, %get3A_1175 : vector<1x1024xf32>
    %get3A_1177 = arith.constant 0 : index
    %get3A_1178 = arith.constant 0 : index
    %get3A_1179 = vector.load %arg9[%get3A_1177, %get3A_1178] : memref<1x1024xi32, #tpu.memory_space<vmem>>, vector<1x1024xi32>
    %select_n3A_1180 = arith.select %lt3A_1176, %add3A_1172, %get3A_1179 : vector<1x1024xi1>, vector<1x1024xi32>
    %swap3A_1181 = arith.constant 0 : index
    %swap3A_1182 = arith.constant 0 : index
    %swap3A_1183 = vector.load %arg9[%swap3A_1181, %swap3A_1182] : memref<1x1024xi32, #tpu.memory_space<vmem>>, vector<1x1024xi32>
    tpu.vector_store %arg9[%swap3A_1181, %swap3A_1182], %select_n3A_1180 {strides = array<i32>} : memref<1x1024xi32, #tpu.memory_space<vmem>>, vector<1x1024xi32>,
    %get3A_1184 = arith.constant 0 : index
    %get3A_1185 = arith.constant 0 : index
    %get3A_1186 = vector.load %arg8[%get3A_1184, %get3A_1185] : memref<1x1024xf32, #tpu.memory_space<vmem>>, vector<1x1024xf32>
    %select_n3A_1187 = arith.select %lt3A_1176, %broadcast_in_dim3A_1157, %get3A_1186 : vector<1x1024xi1>, vector<1x1024xf32>
    %swap3A_1188 = arith.constant 0 : index
    %swap3A_1189 = arith.constant 0 : index
    %swap3A_1190 = vector.load %arg8[%swap3A_1188, %swap3A_1189] : memref<1x1024xf32, #tpu.memory_space<vmem>>, vector<1x1024xf32>
    tpu.vector_store %arg8[%swap3A_1188, %swap3A_1189], %select_n3A_1187 {strides = array<i32>} : memref<1x1024xf32, #tpu.memory_space<vmem>>, vector<1x1024xf32>,
    %slice3A_1191 = vector.extract_strided_slice %concatenate3A_21 {offsets = [7936, 0], sizes = [256, 198], strides = [1, 1]} : vector<8192x198xbf16> to vector<256x198xbf16>
    %dot_general3A_1192 = arith.constant dense<0.000000e+00> : vector<256x1024xf32>
    %dot_general3A_1193 = tpu.matmul %slice3A_1191, %get3A_24, %dot_general3A_1192 {dimension_numbers = #tpu.dot_dimension_numbers<[1], [1], [0], [0], [0, 0, 1, 0], [], []>, transpose_lhs_hint = false} : vector<256x198xbf16>, vector<1024x198xbf16>, vector<256x1024xf32> -> vector<256x1024xf32>
    %reduce_min3A_1194 = arith.constant dense<0x7F800000> : vector<1024xf32>
    %reduce_min3A_1195 = vector.multi_reduction <minimumf>, %dot_general3A_1154, %reduce_min3A_1194 [0] : vector<256x1024xf32> to vector<1024xf32>
    %broadcast_in_dim3A_1196 = vector.shape_cast %reduce_min3A_1195 : vector<1024xf32> to vector<1x1024xf32>
    %eq3A_1197 = vector.broadcast %broadcast_in_dim3A_1196 : vector<1x1024xf32> to vector<256x1024xf32>
    %eq3A_1198 = arith.cmpf oeq, %dot_general3A_1154, %eq3A_1197 : vector<256x1024xf32>
    %jit3A_1199 = arith.constant 1073741824 : i32
    %broadcast_in_dim3A_1200 = vector.broadcast %jit3A_1199 : i32 to vector<256x1024xi32>
    %select_n3A_1201 = arith.select %eq3A_1198, %iota3A, %broadcast_in_dim3A_1200 : vector<256x1024xi1>, vector<256x1024xi32>
    %reduce_min3A_1202 = arith.constant dense<2147483647> : vector<1024xi32>
    %reduce_min3A_1203 = vector.multi_reduction <minsi>, %select_n3A_1201, %reduce_min3A_1202 [0] : vector<256x1024xi32> to vector<1024xi32>
    %broadcast_in_dim3A_1204 = vector.shape_cast %reduce_min3A_1203 : vector<1024xi32> to vector<1x1024xi32>
    %mul3A_1205 = arith.constant 8192 : i32
    %mul3A_1206 = arith.muli %arg0, %mul3A_1205 : i32
    %add3A_1207 = vector.broadcast %mul3A_1206 : i32 to vector<1x1024xi32>
    %add3A_1208 = arith.addi %broadcast_in_dim3A_1204, %add3A_1207 : vector<1x1024xi32>
    %add3A_1209 = arith.constant 7680 : i32
    %add3A_1210 = vector.broadcast %add3A_1209 : i32 to vector<1x1024xi32>
    %add3A_1211 = arith.addi %add3A_1208, %add3A_1210 : vector<1x1024xi32>
    %get3A_1212 = arith.constant 0 : index
    %get3A_1213 = arith.constant 0 : index
    %get3A_1214 = vector.load %arg8[%get3A_1212, %get3A_1213] : memref<1x1024xf32, #tpu.memory_space<vmem>>, vector<1x1024xf32>
    %lt3A_1215 = arith.cmpf olt, %broadcast_in_dim3A_1196, %get3A_1214 : vector<1x1024xf32>
    %get3A_1216 = arith.constant 0 : index
    %get3A_1217 = arith.constant 0 : index
    %get3A_1218 = vector.load %arg9[%get3A_1216, %get3A_1217] : memref<1x1024xi32, #tpu.memory_space<vmem>>, vector<1x1024xi32>
    %select_n3A_1219 = arith.select %lt3A_1215, %add3A_1211, %get3A_1218 : vector<1x1024xi1>, vector<1x1024xi32>
    %swap3A_1220 = arith.constant 0 : index
    %swap3A_1221 = arith.constant 0 : index
    %swap3A_1222 = vector.load %arg9[%swap3A_1220, %swap3A_1221] : memref<1x1024xi32, #tpu.memory_space<vmem>>, vector<1x1024xi32>
    tpu.vector_store %arg9[%swap3A_1220, %swap3A_1221], %select_n3A_1219 {strides = array<i32>} : memref<1x1024xi32, #tpu.memory_space<vmem>>, vector<1x1024xi32>,
    %get3A_1223 = arith.constant 0 : index
    %get3A_1224 = arith.constant 0 : index
    %get3A_1225 = vector.load %arg8[%get3A_1223, %get3A_1224] : memref<1x1024xf32, #tpu.memory_space<vmem>>, vector<1x1024xf32>
    %select_n3A_1226 = arith.select %lt3A_1215, %broadcast_in_dim3A_1196, %get3A_1225 : vector<1x1024xi1>, vector<1x1024xf32>
    %swap3A_1227 = arith.constant 0 : index
    %swap3A_1228 = arith.constant 0 : index
    %swap3A_1229 = vector.load %arg8[%swap3A_1227, %swap3A_1228] : memref<1x1024xf32, #tpu.memory_space<vmem>>, vector<1x1024xf32>
    tpu.vector_store %arg8[%swap3A_1227, %swap3A_1228], %select_n3A_1226 {strides = array<i32>} : memref<1x1024xf32, #tpu.memory_space<vmem>>, vector<1x1024xf32>,
    %reduce_min3A_1230 = arith.constant dense<0x7F800000> : vector<1024xf32>
    %reduce_min3A_1231 = vector.multi_reduction <minimumf>, %dot_general3A_1193, %reduce_min3A_1230 [0] : vector<256x1024xf32> to vector<1024xf32>
    %broadcast_in_dim3A_1232 = vector.shape_cast %reduce_min3A_1231 : vector<1024xf32> to vector<1x1024xf32>
    %eq3A_1233 = vector.broadcast %broadcast_in_dim3A_1232 : vector<1x1024xf32> to vector<256x1024xf32>
    %eq3A_1234 = arith.cmpf oeq, %dot_general3A_1193, %eq3A_1233 : vector<256x1024xf32>
    %jit3A_1235 = arith.constant 1073741824 : i32
    %broadcast_in_dim3A_1236 = vector.broadcast %jit3A_1235 : i32 to vector<256x1024xi32>
    %select_n3A_1237 = arith.select %eq3A_1234, %iota3A, %broadcast_in_dim3A_1236 : vector<256x1024xi1>, vector<256x1024xi32>
    %reduce_min3A_1238 = arith.constant dense<2147483647> : vector<1024xi32>
    %reduce_min3A_1239 = vector.multi_reduction <minsi>, %select_n3A_1237, %reduce_min3A_1238 [0] : vector<256x1024xi32> to vector<1024xi32>
    %broadcast_in_dim3A_1240 = vector.shape_cast %reduce_min3A_1239 : vector<1024xi32> to vector<1x1024xi32>
    %mul3A_1241 = arith.constant 8192 : i32
    %mul3A_1242 = arith.muli %arg0, %mul3A_1241 : i32
    %add3A_1243 = vector.broadcast %mul3A_1242 : i32 to vector<1x1024xi32>
    %add3A_1244 = arith.addi %broadcast_in_dim3A_1240, %add3A_1243 : vector<1x1024xi32>
    %add3A_1245 = arith.constant 7936 : i32
    %add3A_1246 = vector.broadcast %add3A_1245 : i32 to vector<1x1024xi32>
    %add3A_1247 = arith.addi %add3A_1244, %add3A_1246 : vector<1x1024xi32>
    %get3A_1248 = arith.constant 0 : index
    %get3A_1249 = arith.constant 0 : index
    %get3A_1250 = vector.load %arg8[%get3A_1248, %get3A_1249] : memref<1x1024xf32, #tpu.memory_space<vmem>>, vector<1x1024xf32>
    %lt3A_1251 = arith.cmpf olt, %broadcast_in_dim3A_1232, %get3A_1250 : vector<1x1024xf32>
    %get3A_1252 = arith.constant 0 : index
    %get3A_1253 = arith.constant 0 : index
    %get3A_1254 = vector.load %arg9[%get3A_1252, %get3A_1253] : memref<1x1024xi32, #tpu.memory_space<vmem>>, vector<1x1024xi32>
    %select_n3A_1255 = arith.select %lt3A_1251, %add3A_1247, %get3A_1254 : vector<1x1024xi1>, vector<1x1024xi32>
    %swap3A_1256 = arith.constant 0 : index
    %swap3A_1257 = arith.constant 0 : index
    %swap3A_1258 = vector.load %arg9[%swap3A_1256, %swap3A_1257] : memref<1x1024xi32, #tpu.memory_space<vmem>>, vector<1x1024xi32>
    tpu.vector_store %arg9[%swap3A_1256, %swap3A_1257], %select_n3A_1255 {strides = array<i32>} : memref<1x1024xi32, #tpu.memory_space<vmem>>, vector<1x1024xi32>,
    %get3A_1259 = arith.constant 0 : index
    %get3A_1260 = arith.constant 0 : index
    %get3A_1261 = vector.load %arg8[%get3A_1259, %get3A_1260] : memref<1x1024xf32, #tpu.memory_space<vmem>>, vector<1x1024xf32>
    %select_n3A_1262 = arith.select %lt3A_1251, %broadcast_in_dim3A_1232, %get3A_1261 : vector<1x1024xi1>, vector<1x1024xf32>
    %swap3A_1263 = arith.constant 0 : index
    %swap3A_1264 = arith.constant 0 : index
    %swap3A_1265 = vector.load %arg8[%swap3A_1263, %swap3A_1264] : memref<1x1024xf32, #tpu.memory_space<vmem>>, vector<1x1024xf32>
    tpu.vector_store %arg8[%swap3A_1263, %swap3A_1264], %select_n3A_1262 {strides = array<i32>} : memref<1x1024xf32, #tpu.memory_space<vmem>>, vector<1x1024xf32>,
    %eq3A_1266 = arith.constant 0 : i32
    %eq3A_1267 = arith.cmpi eq, %arg0, %eq3A_1266 : i32
    %convert_element_type3A_1268 = arith.extui %eq3A_1267 : i1 to i32
    %cond3A_1269 = arith.constant 0 : i32
    %cond3A_1270 = arith.cmpi ne, %convert_element_type3A_1268, %cond3A_1269 : i32
    scf.if %cond3A_1270 {
      %get3A_1271 = arith.constant 0 : index
      %get3A_1272 = arith.constant 0 : index
      %get3A_1273 = vector.load %arg9[%get3A_1271, %get3A_1272] : memref<1x1024xi32, #tpu.memory_space<vmem>>, vector<1x1024xi32>
      %swap3A_1274 = arith.constant 0 : index
      %swap3A_1275 = arith.constant 0 : index
      %swap3A_1276 = vector.load %arg3[%swap3A_1274, %swap3A_1275] : memref<1x1024xi32, #tpu.memory_space<vmem>>, vector<1x1024xi32>
      tpu.vector_store %arg3[%swap3A_1274, %swap3A_1275], %get3A_1273 {strides = array<i32>} : memref<1x1024xi32, #tpu.memory_space<vmem>>, vector<1x1024xi32>,
      %get3A_1277 = arith.constant 0 : index
      %get3A_1278 = arith.constant 0 : index
      %get3A_1279 = vector.load %arg6[%get3A_1277, %get3A_1278] : memref<1024x32xf32, #tpu.memory_space<vmem>>, vector<1024x32xf32>
      %get3A_1280 = arith.constant 0 : index
      %get3A_1281 = arith.constant 0 : index
      %get3A_1282 = vector.load %arg8[%get3A_1280, %get3A_1281] : memref<1x1024xf32, #tpu.memory_space<vmem>>, vector<1x1024xf32>
      %reduce_sum3A_1283 = vector.shape_cast %get3A_1282 : vector<1x1024xf32> to vector<1x1x1024xf32>
      %reduce_sum3A_1284 = arith.constant dense<0.000000e+00> : vector<1xf32>
      %reduce_sum3A_1285 = vector.multi_reduction <add>, %reduce_sum3A_1283, %reduce_sum3A_1284 [1, 2] : vector<1x1x1024xf32> to vector<1xf32>
      %reduce_sum3A_1286 = vector.shape_cast %reduce_sum3A_1285 : vector<1xf32> to vector<1x1x1xf32>
      %reduce_sum3A_1287 = vector.extract %reduce_sum3A_1286[0, 0, 0] : f32 from vector<1x1x1xf32>
      %mul3A_1288 = arith.mulf %get3A_1279, %get3A_1279 : vector<1024x32xf32>
      %reduce_sum3A_1289 = vector.shape_cast %mul3A_1288 : vector<1024x32xf32> to vector<1x1024x32xf32>
      %reduce_sum3A_1290 = arith.constant dense<0.000000e+00> : vector<1xf32>
      %reduce_sum3A_1291 = vector.multi_reduction <add>, %reduce_sum3A_1289, %reduce_sum3A_1290 [1, 2] : vector<1x1024x32xf32> to vector<1xf32>
      %reduce_sum3A_1292 = vector.shape_cast %reduce_sum3A_1291 : vector<1xf32> to vector<1x1x1xf32>
      %reduce_sum3A_1293 = vector.extract %reduce_sum3A_1292[0, 0, 0] : f32 from vector<1x1x1xf32>
      %add3A_1294 = arith.addf %reduce_sum3A_1287, %reduce_sum3A_1293 : f32
      %div3A_1295 = arith.constant 3.276800e+04 : f32
      %div3A_1296 = arith.divf %add3A_1294, %div3A_1295 : f32
      %mul3A_1297 = arith.constant 2.500000e-01 : f32
      %mul3A_1298 = arith.mulf %mul3A_1297, %div3A_1296 : f32
      %add3A_1299 = arith.addf %mul3A_1298, %div3A_1296 : f32
      %reshape3A = vector.broadcast %add3A_1299 : f32 to vector<1x1xf32>
      %swap3A_1300 = arith.constant 0 : index
      %swap3A_1301 = arith.constant 0 : index
      %swap3A_1302 = vector.load %arg4[%swap3A_1300, %swap3A_1301] : memref<1x1xf32, #tpu.memory_space<vmem>>, vector<1x1xf32>
      tpu.vector_store %arg4[%swap3A_1300, %swap3A_1301], %reshape3A {strides = array<i32>} : memref<1x1xf32, #tpu.memory_space<vmem>>, vector<1x1xf32>,
    } else {
    }
    return
  }
  func.func @transform_0(%arg0: i32) -> (i32, i32) {
    %c0_i32 = arith.constant 0 : i32
    %c0_i32_0 = arith.constant 0 : i32
    %c0_i32_1 = arith.constant 0 : i32
    return %c0_i32, %c0_i32_0 : i32, i32
  }
  func.func @transform_1(%arg0: i32) -> (i32, i32) {
    %c0_i32 = arith.constant 0 : i32
    %c0_i32_0 = arith.constant 0 : i32
    return %arg0, %c0_i32 : i32, i32
  }
  func.func @transform_2(%arg0: i32) -> (i32, i32) {
    %c0_i32 = arith.constant 0 : i32
    %c0_i32_0 = arith.constant 0 : i32
    %c0_i32_1 = arith.constant 0 : i32
    return %c0_i32, %c0_i32_0 : i32, i32
  }
  func.func @transform_3(%arg0: i32) -> (i32, i32) {
    %c0_i32 = arith.constant 0 : i32
    %c0_i32_0 = arith.constant 0 : i32
    %c0_i32_1 = arith.constant 0 : i32
    return %c0_i32, %c0_i32_0 : i32, i32
  }
  func.func @transform_4(%arg0: i32) -> (i32, i32) {
    %c0_i32 = arith.constant 0 : i32
    %c0_i32_0 = arith.constant 0 : i32
    return %arg0, %c0_i32 : i32, i32
  }
}

</mosaic_0001>

<sc_bundles>
// kernel: kernel.4.cloned.1.call-start
scs
__scs_entry_jumppad:
0x0: {  	(pc) =	sbr.rel $0x88, $3  }
0x1: {  	(tag) =	ssettag $0x0;
	lr =	simm.s32 $0x1  }
0x2: {  	[smem:$0x3F9F] =	sst lr;
	_ =	strace $0xD0000000  }
0x3: {  	_ = 	snop  }
0x4: {  	_ = 	snop  }
0x5: {  	_ = 	snop  }
0x6: {  	_ = 	snop  }
0x7: {  	_ = 	snop  }
__scs_overlays_trampoline_lowered:
0x8: {  	[smem:$0x3FAE] =	sst s0  }
0x9: {  	[smem:$0x3FAF] =	sst s1  }
0xa: {  	[smem:$0x3FB0] =	sst s2  }
0xb: {  	[smem:$0x3FB1] =	sst s3  }
0xc: {  	[smem:$0x3FB2] =	sst s4  }
0xd: {  	[smem:$0x3FB3] =	sst s5  }
0xe: {  	[smem:$0x3FB4] =	sst s6  }
0xf: {  	[smem:$0x3FB5] =	sst s7  }
0x10: {  	[smem:$0x3FB6] =	sst s8  }
0x11: {  	[smem:$0x3FB7] =	sst s9;
	s0 =	simm.s32 @!p0 $0x0  }
0x12: {  	s1 =	sld [smem:$0x3F9D];
	s0 =	simm.s32 @p0 $0x1  }
0x13: {  	[smem:$0x3FB8] =	sst s0;
	s0 =	simm.s32 @!p1 $0x0  }
0x14: {  	s2 =	sld [smem:$0x3F9C];
	s0 =	simm.s32 @p1 $0x1  }
0x15: {  	[smem:$0x3FB9] =	sst s0;
	s0 =	simm.s32 @!p2 $0x0  }
0x16: {  	s3 =	sld [smem:$0x3FDB];
	s0 =	simm.s32 @p2 $0x1  }
0x17: {  	s4 =	simm.s32 $0x1BF5;
	[smem:$0x3FBB] =	sst s0  }
0x18: {  	s0 =	sld [smem:$0x3F9E];
	_ =	swait.ge [sflag:s4], $0x0  }
0x19: {  	s7 =	sld [smem:$0x3F9F]  }
0x1a: {  	s8 =	sadd.s32 $0xFFFFE003, lr  }
0x1b: {  	s9 =	sadd.s32 $0xFFFFFEF7, lr;
	s5 =	simm.s32 $0xFFFFFFFF;
	p2 =	slt.u32 s8, $0xFFFFF086  }
0x1c: {  	p1 =	slt.u32 s9, $0xF7A;
	s5 =	simm.s32 @!p2 $0x0  }
0x1d: {  	s5 =	simm.s32 @p1 $0x1;
	p0 =	seq.s32 s7, s2  }
0x1e: {  	s7 =	smul.u32 @!p0 $0xF7A, s2;
	p2 =	seq.s32 @!p0 s5, $0x0  }
0x1f: {  	s9 =	smul.u32 $0xF7A, s1;
	s8 =	simm.s32 @!p0 $0x1BF5;
	p2 =	por !p2, p0  }
0x20: {  	[sflag:s8] =	ssyncset.s32 @!p0 $0xFFFFF086;
	s6 =	sadd.s32 @!p0 s3, s7;
	s7 =	simm.s32 @!p0 $0x108  }
0x21: {  	s3 =	sadd.s32 s3, s9;
	s6 =	sadd.s32 @!p0 $0x88, s6;
	s7 =	simm.s32 @p2 $0x1082  }
0x22: {  	[simem:s7], [sflag:s8] =	dma.local @!p0 [hbm:s6], $0xF7A  }
0x23: {  	s9 =	sor.u32 $0xD0000000, s2;
	s6 =	simm.s32 $0x108;
	_ =	swait.ge @!p0 [sflag:s8], $0x0  }
0x24: {  	s3 =	sadd.s32 $0x88, s3;
	s6 =	simm.s32 @!p1 $0x1082;
	[sflag:s4] =	ssyncset.s32 $0xFFFFF086  }
0x25: {  	[simem:s6], [sflag:s4] =	dma.local [hbm:s3], $0xF7A  }
0x26: {  	[smem:$0x3F9F] =	sst s1;
	(tag) =	ssettag s2;
	_ =	strace s9  }
0x27: {  	s1 =	sld [smem:$0x3FAF]  }
0x28: {  	s2 =	sld [smem:$0x3FB0]  }
0x29: {  	s4 =	sld [smem:$0x3FB2]  }
0x2a: {  	p0 =	seq.s32 s5, $0x0;
	s5 =	sld [smem:$0x3FB3]  }
0x2b: {  	s6 =	sld [smem:$0x3FB4]  }
0x2c: {  	s7 =	sld [smem:$0x3FB5]  }
0x2d: {  	s3 =	simm.s32 $0x108;
	s8 =	sld [smem:$0x3FB6]  }
0x2e: {  	s3 =	simm.s32 @!p0 $0x1082;
	s9 =	sld [smem:$0x3FB7]  }
0x2f: {  	lr =	sadd.s32 s0, s3;
	s0 =	sld [smem:$0x3FAE]  }
0x30: {  	s3 =	sld [smem:$0x3FB1]  }
0x31: {  	[smem:$0x3FBA] =	sst s10  }
0x32: {  	s10 =	sld [smem:$0x3FB8];
	_ =	sdelay $0x3  }
0x33: {  	p0 =	seq.s32 s10, $0x1;
	s10 =	sld [smem:$0x3FBA];
	_ =	sdelay $0x3  }
0x34: {  	[smem:$0x3FBA] =	sst s10  }
0x35: {  	s10 =	sld [smem:$0x3FB9];
	_ =	sdelay $0x3  }
0x36: {  	p1 =	seq.s32 s10, $0x1;
	s10 =	sld [smem:$0x3FBA];
	_ =	sdelay $0x3  }
0x37: {  	[smem:$0x3FBA] =	sst s10  }
0x38: {  	s10 =	sld [smem:$0x3FBB]  }
0x39: {  	_ = 	snop;
	(pc) =	sbr.ind lr, $3  }
0x3a: {  	_ = 	snop  }
0x3b: {  	_ = 	snop  }
0x3c: {  	p2 =	seq.s32 s10, $0x1;
	s10 =	sld [smem:$0x3FBA]  }
0x3d: {  	_ =	shalt  }
0x3e: {  	_ =	shalt  }
0x3f: {  	_ =	shalt  }
0x40: {  	_ =	shalt  }
0x41: {  	_ =	shalt  }
0x42: {  	_ =	shalt  }
0x43: {  	_ =	shalt  }
0x44: {  	_ =	shalt  }
0x45: {  	_ =	shalt  }
0x46: {  	_ =	shalt  }
0x47: {  	_ =	shalt  }
0x48: {  	_ =	shalt  }
0x49: {  	_ =	shalt  }
0x4a: {  	_ =	shalt  }
0x4b: {  	_ =	shalt  }
0x4c: {  	_ =	shalt  }
0x4d: {  	_ =	shalt  }
0x4e: {  	_ =	shalt  }
0x4f: {  	_ =	shalt  }
0x50: {  	_ =	shalt  }
0x51: {  	_ =	shalt  }
0x52: {  	_ =	shalt  }
0x53: {  	_ =	shalt  }
0x54: {  	_ =	shalt  }
0x55: {  	_ =	shalt  }
0x56: {  	_ =	shalt  }
0x57: {  	_ =	shalt  }
0x58: {  	_ =	shalt  }
0x59: {  	_ =	shalt  }
0x5a: {  	_ =	shalt  }
0x5b: {  	_ =	shalt  }
0x5c: {  	_ =	shalt  }
0x5d: {  	_ =	shalt  }
0x5e: {  	_ =	shalt  }
0x5f: {  	_ =	shalt  }
0x60: {  	_ =	shalt  }
0x61: {  	_ =	shalt  }
0x62: {  	_ =	shalt  }
0x63: {  	_ =	shalt  }
0x64: {  	_ =	shalt  }
0x65: {  	_ =	shalt  }
0x66: {  	_ =	shalt  }
0x67: {  	_ =	shalt  }
0x68: {  	_ =	shalt  }
0x69: {  	_ =	shalt  }
0x6a: {  	_ =	shalt  }
0x6b: {  	_ =	shalt  }
0x6c: {  	_ =	shalt  }
0x6d: {  	_ =	shalt  }
0x6e: {  	_ =	shalt  }
0x6f: {  	_ =	shalt  }
0x70: {  	_ =	shalt  }
0x71: {  	_ =	shalt  }
0x72: {  	_ =	shalt  }
0x73: {  	_ =	shalt  }
0x74: {  	_ =	shalt  }
0x75: {  	_ =	shalt  }
0x76: {  	_ =	shalt  }
0x77: {  	_ =	shalt  }
0x78: {  	_ =	shalt  }
0x79: {  	_ =	shalt  }
0x7a: {  	_ =	shalt  }
0x7b: {  	_ =	shalt  }
0x7c: {  	_ =	shalt  }
0x7d: {  	_ =	shalt  }
0x7e: {  	_ =	shalt  }
0x7f: {  	_ =	shalt  }
0x80: {  	_ =	shalt  }
0x81: {  	_ =	shalt  }
0x82: {  	_ =	shalt  }
0x83: {  	_ =	shalt  }
0x84: {  	_ =	shalt  }
0x85: {  	_ =	shalt  }
0x86: {  	_ =	shalt  }
0x87: {  	_ =	shalt  }
.Lfunc_end0:
.L_simem_size_0:
called_computation_lowered:
.L_overlay_start_0:
0x88: {  	s2 =	sld [smem:$0x3FD9]  }
0x89: {  	s3 =	sld [smem:$0x3FFE];
	_ =	sdelay $0x1  }
0x8a: {  	s1 =	srdreg.scid  }
0x8b: {  	s0 =	sand.u32 $0x1, s1  }
0x8c: {  	s14 =	sshll.u32 s0, $0xA;
	s2 =	sadd.s32 s3, s2  }
0x8d: {  	s2 =	sadd.s32 s2, s14  }
0x8e: {  	[smem:$0x3FC6] =	sst s2  }
0x8f: {  	_ = 	snop  }
0x90: {  	s2 =	sld [smem:$0x3FD0];
	_ =	sdelay $0x2  }
0x91: {  	s15 =	simm.s32 $0xA;
	s4 =	simm.s32 $0x10  }
0x92: {  	[smem:s4], [sflag:s15] =	dma.local [hbm:s2], $0x1  }
0x93: {  	_ =	swait.eq [sflag:s15], $0x1  }
0x94: {  	[sflag:s15] =	ssyncset.done $0x0  }
0x95: {  	[sflag:s15] =	ssyncadd.s32 $0xFFFFFFFF  }
0x96: {  	s16 =	sld [smem:$0x10];
	(tm) =	ssettm $0x1  }
0x97: {  	s17 =	sld [smem:$0x3FFB];
	_ =	sdelay $0x3  }
0x98: {  	_ =	strace s17  }
0x99: {  	s3 =	sld [smem:$0x3FFC];
	_ =	sdelay $0x3  }
0x9a: {  	_ =	strace s3  }
0x9b: {  	s3 =	sld [smem:$0x3FFD];
	_ =	sdelay $0x3  }
0x9c: {  	_ =	strace s3  }
0x9d: {  	_ =	strace $0x8FFFFFFF  }
0x9e: {  	s18 =	sld [smem:$0x3FDB];
	_ =	sdelay $0x1  }
0x9f: {  	s19 =	simm.s32 $_scs_section_size  }
0xa0: {  	s5 =	simm.s32 $_size__tile_overlayer_lowered;
	s6 =	simm.s32 $_tile_overlayer_lowered  }
0xa1: {  	s22 =	simm.s32 $0x1BFF;
	s21 =	sshll.u32 s6, $0x1;
	s3 =	sadd.s32 s19, s18  }
0xa2: {  	s7 =	simm.s32 $0x0;
	s20 =	sshll.u32 s5, $0x1;
	s5 =	sadd.s32 s21, s3  }
0xa3: {  	[timem:s7], [sflag:s22] =	dma.local [hbm:s5], s20  }
0xa4: {  	_ =	swait.ge [sflag:s22], s20  }
0xa5: {  	s4 =	ssub.s32 $0x0, s20;
	[sflag:s22] =	ssyncset.done $0x0  }
0xa6: {  	[sflag:s22] =	ssyncadd.s32 s4;
	_ =	sdelay $0x1  }
0xa7: {  	s23 =	simm.s32 $0x1B8B  }
0xa8: {  	_ =	swait.ge [sflag:s23], $0x1  }
0xa9: {  	[sflag:s23] =	ssyncset.done $0x0  }
0xaa: {  	s25 =	simm.s32 $0x1B8E;
	s24 =	sld [smem:$0x3FFE];
	[sflag:s23] =	ssyncadd.s32 $0xFFFFFFFF  }
0xab: {  	s26 =	simm.s32 $execute0_lowered;
	[smem:$0x3FD2] =	sst s25  }
0xac: {  	s5 =	sshll.u32 s26, $0x1;
	_ =	strace $0x80000046;
	[dreg:$0x1] =	wrdreg $0xFFFFFFFF  }
0xad: {  	s28 =	simm.s32 $_size_execute0_lowered;
	s3 =	sadd.s32 s3, s5;
	[dreg:$0x0] =	wrdreg $0x0  }
0xae: {  	s5 =	sshll.u32 s28, $0x1;
	[dreg:$0x2] =	wrdreg s3  }
0xaf: {  	[dreg:$0x3] =	wrdreg s5  }
0xb0: {  	[dreg:$0x4] =	wrdreg $0xC0  }
0xb1: {  	_ =	task [dreg:s7], $0x5FFFF  }
0xb2: {  	[dreg:$0x1] =	wrdreg $0xFFFFFFFF  }
0xb3: {  	[dreg:$0x0] =	wrdreg $0x60  }
0xb4: {  	[dreg:$0x2] =	wrdreg s24  }
0xb5: {  	[dreg:$0x3] =	wrdreg s16  }
0xb6: {  	[dreg:$0x4] =	wrdreg $0x9  }
0xb7: {  	_ =	task.clear_ibuf [dreg:s7], $0x5FFFF;
	_ =	strace $0x90000046  }
0xb8: {  	s29 =	simm.s32 $0x9;
	_ =	strace $0x80000048  }
0xb9: {  	_ =	swait.ge [sflag:s29], $0x1  }
0xba: {  	[sflag:s29] =	ssyncadd.s32 $0xFFFFFFFF  }
0xbb: {  	_ =	strace $0x90000048  }
0xbc: {  	_ =	sfence  }
0xbd: {  	s30 =	sld [smem:$0x0];
	_ =	sdelay $0x2  }
0xbe: {  	s31 =	sshll.u32 s1, $0xD;
	s1 =	sshrl.u32 s1, $0x2  }
0xbf: {  	s3 =	sand.u32 $0x4000, s31;
	s1 =	sadd.s32 s1, s30  }
0xc0: {  	s0 =	sor.u32 s3, s0;
	s1 =	sshll.u32 s1, $0x11  }
0xc1: {  	s0 =	sor.u32 s1, s0  }
0xc2: {  	s0 =	sadd.s32 $0x8F2B, s0  }
0xc3: {  	[sflag:s0] =	ssyncadd.remote.s32 $0x1  }
0xc4: {  	_ =	sfence.sel $0xFFFF  }
0xc5: {  	[dreg:$0x0] =	wrdreg $0xFFFFFFFF;
	(pc) =	sbr.abs _section_cstart, $3  }
0xc6: {  	[dreg:$0x1] =	wrdreg $0xFFFFFFFF  }
0xc7: {  	_ =	task.clear_ibuf [dreg:s7], $0x2FFFF;
	_ =	strace $0x9FFFFFFF  }
0xc8: {  	(tm) =	ssettm $0x7FFFFFFF  }
0xc9: {  	_ =	shalt  }
tec
execute0_lowered:
.L_overlay_start_1:
0x0: {  	(tag) =	ssettag $0x1  }
0x1: {  	s1 =	srdreg.scid;
	s9 =	rddreg [dreg:$0x0]  }
0x2: {  	s0 =	stileid.u32;
	s3 =	rddreg [dreg:$0x1]  }
0x3: {  	s2 =	simm.s32 $0x0;
	s7 =	simm.s32 $0x80;
	s6 =	sand.u32 $0x1, s1  }
0x4: {  	s4 =	sshll.u32 s0, $0x6;
	s1 =	rddreg [dreg:$0x2];
	s5 =	sshll.u32 s6, $0x5  }
0x5: {  	s8 =	simm.s32 $0x1;
	[smem:$0x7FF] =	sst s2;
	s10 =	sor.u32 s5, s4  }
0x6: {  	_ =	strace $0x80000047;
	s11 =	ssub.s32 $0x2, s6;
	s4 =	sshrl.u32 s10, $0x3  }
0x7: {  	s6 =	simm.s32 $0x20;
	s4 =	sadd.s32 s3, s4;
	s3 =	simm.s32 $0x2  }
0x8: {  	[tilespmem:s2], [sflag:$0x2] =	stream.linear.gather [hbm4b:s4+s2], $0x20, $0x38;
	[tilespmem:$0x1080] =	vst v63  }
0x9: {  	s5 =	sadd.s32 $0xA00, s9;
	s12 =	sshrl.u32 s11, $0x1;
	_ =	swait.ge [sflag:s3], $0x20  }
0xa: {  	s10 =	sshll.u32 s10, $0x4;
	s31 =	ssub.s32 s11, s12;
	[sflag:s3] =	ssyncset.done $0x0  }
0xb: {  	s9 =	sadd.s32 s10, s9;
	s10 =	smax.u32 s31, $0x1;
	[sflag:s3] =	ssyncadd.s32 $0xFFFFFFE0  }
0xc: {  	[tilespmem:s7], [sflag:$0x1] =	stream.indirect.gather [hbm4b:s5+s6], $0x80, s2, s6, $0xb8;
	[tilespmem:$0x1080] =	vst v63  }
0xd: {  	p0 =	sne.s32 s10, $0x1;
	_ =	swait.ge [sflag:s8], $0x1000  }
.Ltmp0:
0xe: {  	[sflag:s8] =	ssyncset.done $0x0;
	(pc) =	sbr.rel @!p0 .LBB2_2-.Ltmp0, $4  }
0xf: {  	s9 =	sadd.s32 $0x20A00, s9;
	[sflag:s8] =	ssyncadd.s32 $0xFFFFF000  }
0x10: {  	[hbm4b:s9+s2] =	stream.linear.scatter [tilespmem:s7], [sflag:$0x2], $0x1000, $0x38;
	[tilespmem:$0x1080] =	vst v63  }
0x11: {  	_ =	swait.ge [sflag:s3], $0x1000  }
0x12: {  	s10 =	sadd.s32 $0xFFFFFFFF, s10;
	[sflag:s3] =	ssyncset.done $0x0  }
.LBB2_1:
0x13: {  	p0 =	sne.s32 s10, $0x1;
	s10 =	sadd.s32 $0xFFFFFFFF, s10;
	[sflag:s3] =	ssyncadd.s32 $0xFFFFF000  }
0x14: {  	[tilespmem:s2], [sflag:$0x2] =	stream.linear.gather [hbm4b:s4+s2], $0x20, $0x38;
	[tilespmem:$0x1080] =	vst v63  }
0x15: {  	_ =	swait.ge [sflag:s3], $0x20  }
0x16: {  	[sflag:s3] =	ssyncset.done $0x0  }
0x17: {  	[sflag:s3] =	ssyncadd.s32 $0xFFFFFFE0  }
0x18: {  	[tilespmem:s7], [sflag:$0x1] =	stream.indirect.gather [hbm4b:s5+s6], $0x80, s2, s6, $0xb8;
	[tilespmem:$0x1080] =	vst v63  }
0x19: {  	_ =	swait.ge [sflag:s8], $0x1000  }
.Ltmp1:
0x1a: {  	[sflag:s8] =	ssyncset.done $0x0;
	(pc) =	sbr.rel @p0 .LBB2_1-.Ltmp1, $4  }
0x1b: {  	[sflag:s8] =	ssyncadd.s32 $0xFFFFF000  }
0x1c: {  	[hbm4b:s9+s2] =	stream.linear.scatter [tilespmem:s7], [sflag:$0x2], $0x1000, $0x38;
	[tilespmem:$0x1080] =	vst v63  }
0x1d: {  	_ =	swait.ge [sflag:s3], $0x1000  }
0x1e: {  	[sflag:s3] =	ssyncset.done $0x0  }
.LBB2_2:
0x1f: {  	[sflag:s3] =	ssyncadd.s32 $0xFFFFF000  }
0x20: {  	_ =	sfence.sel $0x180000  }
0x21: {  	[bflag:$0x0] =	sbarrier.arrive $0xFFFF  }
0x22: {  	p0 =	sne.s32 s0, $0x0;
	_ =	strace $0x90000047  }
0x23: {  	s0 =	sadd.s32 @!p0 $0x100000, s1;
	[bflag:$0x2] =	sbarrier.arrive $0xFFFF  }
0x24: {  	[sflag:s0] =	ssyncadd.tile.s32 @!p0 $0x1;
	_ =	shalt  }
.Lfunc_end2:
_tile_overlayer_lowered:
.L_overlay_start_2:
0x25: {  	(tag) =	ssettag $0x2  }
0x26: {  	s0 =	rddreg [dreg:$0x0];
	s2 =	stileid.u32  }
0x27: {  	s1 =	rddreg [dreg:$0x1];
	p0 =	sne.s32 s2, $0x0  }
0x28: {  	s3 =	rddreg [dreg:$0x2];
	[bflag:$0x3] =	sbarrier.arrive $0xFFFF;
	s2 =	simm.s32 @!p0 $0x1C02  }
0x29: {  	[timem:s3], [sflag:s2] =	dma.local @!p0 [hbm:s0], s1  }
0x2a: {  	s0 =	simm.s32 @!p0 $0x2  }
0x2b: {  	_ =	swait.ge @!p0 [sflag:s0], s1  }
0x2c: {  	s1 =	ssub.s32 @!p0 $0x0, s1;
	[sflag:s0] =	ssyncset.done @!p0 $0x0  }
0x2d: {  	[sflag:s0] =	ssyncadd.s32 @!p0 s1  }
0x2e: {  	[bflag:$0x3] =	sbarrier.arrive $0xFFFF  }
0x2f: {  	_ =	shalt  }

</sc_bundles>
